<compile_context>
chip_gen: v7x
topology: tpu7x:2x2x1
jax: 0.10.2.dev20260603
libtpu: 0.0.44.dev20260713+nightly
codegen_flags: <defaults>
</compile_context>

<pallas_src>
import functools

import jax
import jax.numpy as jnp
from jax import lax
from jax.experimental import pallas as pl
from jax.experimental.pallas import tpu as pltpu
from jax.experimental.pallas import tpu_sc as plsc

N = 10000
E = 320000
D_IN = 128
D_HID = 128
D_OUT = 2
D_PAD = 16

NC = 2
NS = 16
NW = NC * NS
CHUNK = 80
NCHUNK = 125
EPT = CHUNK * NCHUNK
ROWS_PT = 1000
N_IO_TILES = N // ROWS_PT

_MESH = plsc.VectorSubcoreMesh(
    core_axis_name="c", subcore_axis_name="s", num_cores=NC, num_subcores=NS
)
_SC_PARAMS = pltpu.CompilerParams(use_tc_tiling_on_sc=False)


def _wid():
    return lax.axis_index("c") * NS + lax.axis_index("s")


@functools.partial(
    pl.kernel,
    out_type=jax.ShapeDtypeStruct((NC, N, D_PAD), jnp.float32),
    mesh=_MESH,
    scratch_types=[
        pltpu.VMEM((NCHUNK, CHUNK), jnp.int32),
        pltpu.VMEM((CHUNK, D_PAD), jnp.float32),
        pltpu.VMEM_SHARED((N, D_PAD), jnp.float32),
    ],
    compiler_params=_SC_PARAMS,
)
def _sc_degree(e4_hbm, ones_hbm, zeros_hbm, out_hbm, dst_v, ones_v, acc):
    c = lax.axis_index("c")
    s = lax.axis_index("s")
    wid = _wid()

    @pl.when(s < N_IO_TILES)
    def _zero():
        sl = pl.ds(s * ROWS_PT, ROWS_PT)
        pltpu.sync_copy(zeros_hbm.at[sl], acc.at[sl])

    pltpu.sync_copy(e4_hbm.at[1, wid], dst_v)
    pltpu.sync_copy(ones_hbm, ones_v)
    plsc.subcore_barrier()

    def body(i, carry):
        pltpu.sync_copy(ones_v, acc.at[dst_v.at[i]], add=True)
        return carry

    lax.fori_loop(0, NCHUNK, body, 0)
    plsc.subcore_barrier()

    @pl.when(s < N_IO_TILES)
    def _out():
        sl = pl.ds(s * ROWS_PT, ROWS_PT)
        pltpu.sync_copy(acc.at[sl], out_hbm.at[c, sl])


@functools.partial(
    pl.kernel,
    out_type=jax.ShapeDtypeStruct((NC, N, D_HID), jnp.float32),
    mesh=_MESH,
    scratch_types=[
        pltpu.VMEM((NCHUNK, CHUNK), jnp.int32),
        pltpu.VMEM((NCHUNK, CHUNK), jnp.int32),
        pltpu.VMEM((CHUNK, D_HID), jnp.float32),
        pltpu.VMEM((CHUNK, D_HID), jnp.float32),
        pltpu.VMEM_SHARED((N, D_HID), jnp.float32),
        pltpu.SemaphoreType.DMA,
        pltpu.SemaphoreType.DMA,
    ],
    compiler_params=_SC_PARAMS,
)
def _sc_agg_128(hp_hbm, e4_hbm, zeros_hbm, out_hbm,
                src_v, dst_v, rows0, rows1, acc, sem0, sem1):
    c = lax.axis_index("c")
    s = lax.axis_index("s")
    wid = _wid()

    @pl.when(s < N_IO_TILES)
    def _zero():
        sl = pl.ds(s * ROWS_PT, ROWS_PT)
        pltpu.sync_copy(zeros_hbm.at[sl], acc.at[sl])

    pltpu.sync_copy(e4_hbm.at[0, wid], src_v)
    pltpu.sync_copy(e4_hbm.at[1, wid], dst_v)
    plsc.subcore_barrier()

    def _start(i, buf, sem):
        pltpu.async_copy(hp_hbm.at[src_v.at[i]], buf, sem)

    def _finish(i, buf, sem):
        pltpu.make_async_copy(hp_hbm.at[src_v.at[i]], buf, sem).wait()
        pltpu.sync_copy(buf, acc.at[dst_v.at[i]], add=True)

    _start(0, rows0, sem0)

    def body(j, carry):
        i0 = 2 * j
        _start(i0 + 1, rows1, sem1)
        _finish(i0, rows0, sem0)
        _start(i0 + 2, rows0, sem0)
        _finish(i0 + 1, rows1, sem1)
        return carry

    lax.fori_loop(0, (NCHUNK - 1) // 2, body, 0)
    _finish(NCHUNK - 1, rows0, sem0)
    plsc.subcore_barrier()

    @pl.when(s < N_IO_TILES)
    def _out():
        sl = pl.ds(s * ROWS_PT, ROWS_PT)
        pltpu.sync_copy(acc.at[sl], out_hbm.at[c, sl])


@functools.partial(
    pl.kernel,
    out_type=jax.ShapeDtypeStruct((NC, N, D_PAD), jnp.float32),
    mesh=_MESH,
    scratch_types=[
        pltpu.VMEM((NCHUNK, CHUNK), jnp.int32),
        pltpu.VMEM((NCHUNK, CHUNK), jnp.int32),
        pltpu.VMEM((CHUNK, D_PAD), jnp.float32),
        pltpu.VMEM((CHUNK, D_PAD), jnp.float32),
        pltpu.VMEM_SHARED((N, D_PAD), jnp.float32),
        pltpu.VMEM_SHARED((N, D_PAD), jnp.float32),
        pltpu.SemaphoreType.DMA,
        pltpu.SemaphoreType.DMA,
    ],
    compiler_params=_SC_PARAMS,
)
def _sc_agg_16(h2p_hbm, e4_hbm, zeros_hbm, out_hbm,
               src_v, dst_v, rows0, rows1, acc, table, sem0, sem1):
    c = lax.axis_index("c")
    s = lax.axis_index("s")
    wid = _wid()

    @pl.when(s < N_IO_TILES)
    def _zero():
        sl = pl.ds(s * ROWS_PT, ROWS_PT)
        pltpu.sync_copy(zeros_hbm.at[sl], acc.at[sl])
        pltpu.sync_copy(h2p_hbm.at[sl], table.at[sl])

    pltpu.sync_copy(e4_hbm.at[0, wid], src_v)
    pltpu.sync_copy(e4_hbm.at[1, wid], dst_v)
    plsc.subcore_barrier()

    def _start(i, buf, sem):
        pltpu.async_copy(table.at[src_v.at[i]], buf, sem)

    def _finish(i, buf, sem):
        pltpu.make_async_copy(table.at[src_v.at[i]], buf, sem).wait()
        pltpu.sync_copy(buf, acc.at[dst_v.at[i]], add=True)

    _start(0, rows0, sem0)

    def body(j, carry):
        i0 = 2 * j
        _start(i0 + 1, rows1, sem1)
        _finish(i0, rows0, sem0)
        _start(i0 + 2, rows0, sem0)
        _finish(i0 + 1, rows1, sem1)
        return carry

    lax.fori_loop(0, (NCHUNK - 1) // 2, body, 0)
    _finish(NCHUNK - 1, rows0, sem0)
    plsc.subcore_barrier()

    @pl.when(s < N_IO_TILES)
    def _out():
        sl = pl.ds(s * ROWS_PT, ROWS_PT)
        pltpu.sync_copy(acc.at[sl], out_hbm.at[c, sl])


_BR = 2000
_GRID = N // _BR


def _tc1a_body(x_ref, w1_ref, h_ref):
    h_ref[...] = jnp.dot(x_ref[...], w1_ref[...],
                         preferred_element_type=jnp.float32,
                         precision=lax.Precision.HIGHEST)


def _tc1a(x, W1):
    return pl.pallas_call(
        _tc1a_body,
        grid=(_GRID,),
        in_specs=[
            pl.BlockSpec((_BR, D_IN), lambda i: (i, 0)),
            pl.BlockSpec((D_IN, D_HID), lambda i: (0, 0)),
        ],
        out_specs=pl.BlockSpec((_BR, D_HID), lambda i: (i, 0)),
        out_shape=jax.ShapeDtypeStruct((N, D_HID), jnp.float32),
    )(x, W1)


def _tc1b_body(h_ref, dp0_ref, dp1_ref, hp_ref, dis_ref):
    deg = dp0_ref[0, :, 0:1] + dp1_ref[0, :, 0:1] + 1.0
    dis = lax.rsqrt(deg)
    hp_ref[...] = h_ref[...] * dis
    dis_ref[...] = dis


def _tc1b(h, degp):
    return pl.pallas_call(
        _tc1b_body,
        grid=(_GRID,),
        in_specs=[
            pl.BlockSpec((_BR, D_HID), lambda i: (i, 0)),
            pl.BlockSpec((1, _BR, D_PAD), lambda i: (0, i, 0)),
            pl.BlockSpec((1, _BR, D_PAD), lambda i: (1, i, 0)),
        ],
        out_specs=[
            pl.BlockSpec((_BR, D_HID), lambda i: (i, 0)),
            pl.BlockSpec((_BR, 1), lambda i: (i, 0)),
        ],
        out_shape=[
            jax.ShapeDtypeStruct((N, D_HID), jnp.float32),
            jax.ShapeDtypeStruct((N, 1), jnp.float32),
        ],
    )(h, degp, degp)


def _tc2_body(p_ref, q_ref, hp_ref, dis_ref, b1_ref, w2_ref, h2p_ref):
    dis = dis_ref[...]
    z = (p_ref[0] + q_ref[0] + hp_ref[...]) * dis + b1_ref[...]
    z = jnp.maximum(z, 0.0)
    h2 = jnp.dot(z, w2_ref[...], preferred_element_type=jnp.float32,
                 precision=lax.Precision.HIGHEST)
    h2p_ref[...] = h2 * dis


def _tc2(aggp, hp, dis, b1r, W2p):
    return pl.pallas_call(
        _tc2_body,
        grid=(_GRID,),
        in_specs=[
            pl.BlockSpec((1, _BR, D_HID), lambda i: (0, i, 0)),
            pl.BlockSpec((1, _BR, D_HID), lambda i: (1, i, 0)),
            pl.BlockSpec((_BR, D_HID), lambda i: (i, 0)),
            pl.BlockSpec((_BR, 1), lambda i: (i, 0)),
            pl.BlockSpec((1, D_HID), lambda i: (0, 0)),
            pl.BlockSpec((D_HID, D_PAD), lambda i: (0, 0)),
        ],
        out_specs=pl.BlockSpec((_BR, D_PAD), lambda i: (i, 0)),
        out_shape=jax.ShapeDtypeStruct((N, D_PAD), jnp.float32),
    )(aggp, aggp, hp, dis, b1r, W2p)


def _tc3_body(p_ref, q_ref, h2p_ref, dis_ref, b2_ref, out_ref):
    full = (p_ref[0] + q_ref[0] + h2p_ref[...]) * dis_ref[...] + b2_ref[...]
    out_ref[...] = full[:, :D_OUT]


def _tc3(agg2p, h2p, dis, b2p):
    return pl.pallas_call(
        _tc3_body,
        grid=(_GRID,),
        in_specs=[
            pl.BlockSpec((1, _BR, D_PAD), lambda i: (0, i, 0)),
            pl.BlockSpec((1, _BR, D_PAD), lambda i: (1, i, 0)),
            pl.BlockSpec((_BR, D_PAD), lambda i: (i, 0)),
            pl.BlockSpec((_BR, 1), lambda i: (i, 0)),
            pl.BlockSpec((1, D_PAD), lambda i: (0, 0)),
        ],
        out_specs=pl.BlockSpec((_BR, D_OUT), lambda i: (i, 0)),
        out_shape=jax.ShapeDtypeStruct((N, D_OUT), jnp.float32),
    )(agg2p, agg2p, h2p, dis, b2p)


def kernel(x, edge_index, W1, b1, W2, b2):
    e4 = edge_index.reshape(2, NW, NCHUNK, CHUNK)
    ones16 = jnp.ones((CHUNK, D_PAD), jnp.float32)
    zeros16 = jnp.zeros((N, D_PAD), jnp.float32)
    zeros128 = jnp.zeros((N, D_HID), jnp.float32)
    W2p = jnp.pad(W2, ((0, 0), (0, D_PAD - D_OUT)))
    b1r = b1.reshape(1, D_HID)
    b2p = jnp.pad(b2, (0, D_PAD - D_OUT)).reshape(1, D_PAD)

    h = _tc1a(x, W1)
    degp = _sc_degree(e4, ones16, zeros16)
    hp, dis = _tc1b(h, degp)

    aggp = _sc_agg_128(hp, e4, zeros128)
    h2p = _tc2(aggp, hp, dis, b1r, W2p)

    agg2p = _sc_agg_16(h2p, e4, zeros16)
    return _tc3(agg2p, h2p, dis, b2p)

# --- scband reference (transcript-rebuilt; emitter-appended) ---
"""Pipeline reference for scband-drone-gnn-11639361372426 (READ-ONLY COPY).

The authoritative reference and input builder live on the scoring server;
editing this copy changes nothing except your own understanding.
"""

import jax, jax.numpy as jnp
import numpy as np

N = 10000
E = 320000
D_IN = 128
D_HID = 128
D_OUT = 2


def setup_inputs(seed: int = 0) -> dict:
    key = jax.random.key(seed)
    k1, k2, k3, k4 = jax.random.split(key, 4)
    x = jax.random.normal(k1, (N, D_IN), dtype=jnp.float32)
    edge_index = jax.random.randint(k2, (2, E), 0, N, dtype=jnp.int32)
    W1 = jax.random.normal(k3, (D_IN, D_HID), dtype=jnp.float32) * 0.05
    b1 = jnp.zeros((D_HID,), dtype=jnp.float32)
    W2 = jax.random.normal(k4, (D_HID, D_OUT), dtype=jnp.float32) * 0.05
    b2 = jnp.zeros((D_OUT,), dtype=jnp.float32)
    return {"x": x, "edge_index": edge_index, "W1": W1, "b1": b1, "W2": W2, "b2": b2}


def _gcn_conv(x, edge_index, W, b):
    # PyG GCNConv semantics: add self-loops, symmetric normalization,
    # linear transform, sum-aggregate messages, add bias.
    n = x.shape[0]
    src = edge_index[0]
    dst = edge_index[1]
    loop = jnp.arange(n, dtype=src.dtype)
    src = jnp.concatenate([src, loop])
    dst = jnp.concatenate([dst, loop])
    ones = jnp.ones(src.shape[0], dtype=x.dtype)
    deg = jax.ops.segment_sum(ones, dst, num_segments=n)
    deg_inv_sqrt = jnp.where(deg > 0, jax.lax.rsqrt(jnp.maximum(deg, 1e-12)), 0.0)
    norm = deg_inv_sqrt[src] * deg_inv_sqrt[dst]
    h = x @ W
    msg = jnp.take(h, src, axis=0) * norm[:, None]
    out = jax.ops.segment_sum(msg, dst, num_segments=n)
    return out + b


def reference(x, edge_index, W1, b1, W2, b2):
    h = jax.nn.relu(_gcn_conv(x, edge_index, W1, b1))
    out = _gcn_conv(h, edge_index, W2, b2)
    return out

if __name__ == "__main__":
    import jax
    _d = setup_inputs()
    print(jax.jit(kernel)(*tuple(_d.values())))

</pallas_src>

<mosaic_0001>
#map = affine_map<(d0, d1) -> (0, 0)>
#map1 = affine_map<(d0, d1) -> (0, 0, 0, 0)>
#map2 = affine_map<(d0, d1) -> (0, 0, 0)>
module attributes {stable_mosaic.version = 14 : i64} {
  func.func @_sc_agg_128(%arg0: i32, %arg1: i32, %arg2: memref<10000x128xf32, #tpu.memory_space<hbm>>, %arg3: memref<2x32x125x80xi32, #tpu.memory_space<hbm>>, %arg4: memref<10000x128xf32, #tpu.memory_space<hbm>>, %arg5: memref<2x10000x128xf32, #tpu.memory_space<hbm>>, %arg6: memref<125x80xi32, #tpu.memory_space<vmem>>, %arg7: memref<125x80xi32, #tpu.memory_space<vmem>>, %arg8: memref<80x128xf32, #tpu.memory_space<vmem>>, %arg9: memref<80x128xf32, #tpu.memory_space<vmem>>, %arg10: memref<10000x128xf32, #tpu.memory_space<vmem_shared>>, %arg11: memref<!tpu.dma_semaphore, #tpu.memory_space<semaphore_mem>>, %arg12: memref<!tpu.dma_semaphore, #tpu.memory_space<semaphore_mem>>) attributes {dimension_semantics = [#tpu.dimension_semantics<core_parallel>, #tpu.dimension_semantics<subcore_parallel>], iteration_bounds = array<i64: 2, 16>, scalar_prefetch = 0 : i64, scratch_operands = 7 : i64, tpu.core_type = #tpu.core_type<sc_vector_subcore>, window_params = [{transform_indices = #map}, {transform_indices = #map1}, {transform_indices = #map}, {transform_indices = #map2}]} {
    %mul3A = arith.constant 16 : i32
    %mul3A_0 = arith.muli %arg0, %mul3A : i32
    %add3A = arith.addi %mul3A_0, %arg1 : i32
    %lt3A = arith.constant 10 : i32
    %lt3A_1 = arith.cmpi slt, %arg1, %lt3A : i32
    %convert_element_type3A = arith.extui %lt3A_1 : i1 to i32
    %cond3A = arith.constant 0 : i32
    %cond3A_2 = arith.cmpi ne, %convert_element_type3A, %cond3A : i32
    scf.if %cond3A_2 {
      %mul3A_28 = arith.constant 1000 : i32
      %mul3A_29 = arith.muli %arg1, %mul3A_28 : i32
      "tpu.region"() ({
        %run_scoped3A_30 = tpu.sem_alloc : memref<!tpu.dma_semaphore, #tpu.memory_space<semaphore_mem>>
        %dma_start3A_31 = arith.constant 0 : i32
        %dma_start3A_32 = tpu.memref_slice %arg10[%mul3A_29, %dma_start3A_31] : memref<10000x128xf32, #tpu.memory_space<vmem_shared>> -> memref<1000x128xf32, #tpu.memory_space<vmem_shared>>
        %dma_start3A_33 = arith.constant 0 : i32
        %dma_start3A_34 = tpu.memref_slice %arg4[%mul3A_29, %dma_start3A_33] : memref<10000x128xf32, #tpu.memory_space<hbm>> -> memref<1000x128xf32, #tpu.memory_space<hbm>>
        tpu.enqueue_dma source(%dma_start3A_34 : memref<1000x128xf32, #tpu.memory_space<hbm>>) target(%dma_start3A_32 : memref<1000x128xf32, #tpu.memory_space<vmem_shared>>) target_semaphore(%run_scoped3A_30 : memref<!tpu.dma_semaphore, #tpu.memory_space<semaphore_mem>>)
        %dma_wait3A_35 = arith.constant 0 : i32
        %dma_wait3A_36 = tpu.memref_slice %arg10[%mul3A_29, %dma_wait3A_35] : memref<10000x128xf32, #tpu.memory_space<vmem_shared>> -> memref<1000x128xf32, #tpu.memory_space<vmem_shared>>
        %dma_wait3A_37 = arith.constant 0 : i32
        %dma_wait3A_38 = tpu.memref_slice %arg4[%mul3A_29, %dma_wait3A_37] : memref<10000x128xf32, #tpu.memory_space<hbm>> -> memref<1000x128xf32, #tpu.memory_space<hbm>>
        tpu.wait_dma2 semaphore(%run_scoped3A_30 : memref<!tpu.dma_semaphore, #tpu.memory_space<semaphore_mem>>) src(%dma_wait3A_38 : memref<1000x128xf32, #tpu.memory_space<hbm>>) dst(%dma_wait3A_36 : memref<1000x128xf32, #tpu.memory_space<vmem_shared>>)
        tpu.yield
      }) : () -> ()
    } else {
    }
    %run_scoped3A = arith.constant 0 : i32
    "tpu.region"() ({
      %run_scoped3A_28 = tpu.sem_alloc : memref<!tpu.dma_semaphore, #tpu.memory_space<semaphore_mem>>
      %dma_start3A_29 = arith.constant 0 : i32
      %dma_start3A_30 = arith.constant 0 : i32
      %dma_start3A_31 = tpu.memref_slice %arg3[%run_scoped3A, %add3A, %dma_start3A_29, %dma_start3A_30] : memref<2x32x125x80xi32, #tpu.memory_space<hbm>> -> memref<1x1x125x80xi32, #tpu.memory_space<hbm>>
      %dma_start3A_32 = tpu.memref_squeeze %dma_start3A_31 : memref<1x1x125x80xi32, #tpu.memory_space<hbm>> -> memref<125x80xi32, #tpu.memory_space<hbm>>
      %dma_start3A_33 = arith.constant 0 : i32
      %dma_start3A_34 = arith.constant 0 : i32
      %dma_start3A_35 = tpu.memref_slice %arg3[%run_scoped3A, %add3A, %dma_start3A_33, %dma_start3A_34] : memref<2x32x125x80xi32, #tpu.memory_space<hbm>> -> memref<1x1x125x80xi32, #tpu.memory_space<hbm>>
      %dma_start3A_36 = tpu.memref_squeeze %dma_start3A_35 : memref<1x1x125x80xi32, #tpu.memory_space<hbm>> -> memref<125x80xi32, #tpu.memory_space<hbm>>
      tpu.enqueue_dma source(%dma_start3A_36 : memref<125x80xi32, #tpu.memory_space<hbm>>) target(%arg6 : memref<125x80xi32, #tpu.memory_space<vmem>>) target_semaphore(%run_scoped3A_28 : memref<!tpu.dma_semaphore, #tpu.memory_space<semaphore_mem>>)
      %dma_wait3A_37 = arith.constant 0 : i32
      %dma_wait3A_38 = arith.constant 0 : i32
      %dma_wait3A_39 = tpu.memref_slice %arg3[%run_scoped3A, %add3A, %dma_wait3A_37, %dma_wait3A_38] : memref<2x32x125x80xi32, #tpu.memory_space<hbm>> -> memref<1x1x125x80xi32, #tpu.memory_space<hbm>>
      %dma_wait3A_40 = tpu.memref_squeeze %dma_wait3A_39 : memref<1x1x125x80xi32, #tpu.memory_space<hbm>> -> memref<125x80xi32, #tpu.memory_space<hbm>>
      %dma_wait3A_41 = arith.constant 0 : i32
      %dma_wait3A_42 = arith.constant 0 : i32
      %dma_wait3A_43 = tpu.memref_slice %arg3[%run_scoped3A, %add3A, %dma_wait3A_41, %dma_wait3A_42] : memref<2x32x125x80xi32, #tpu.memory_space<hbm>> -> memref<1x1x125x80xi32, #tpu.memory_space<hbm>>
      %dma_wait3A_44 = tpu.memref_squeeze %dma_wait3A_43 : memref<1x1x125x80xi32, #tpu.memory_space<hbm>> -> memref<125x80xi32, #tpu.memory_space<hbm>>
      tpu.wait_dma2 semaphore(%run_scoped3A_28 : memref<!tpu.dma_semaphore, #tpu.memory_space<semaphore_mem>>) src(%dma_wait3A_44 : memref<125x80xi32, #tpu.memory_space<hbm>>) dst(%arg6 : memref<125x80xi32, #tpu.memory_space<vmem>>)
      tpu.yield
    }) : () -> ()
    %run_scoped3A_3 = arith.constant 1 : i32
    "tpu.region"() ({
      %run_scoped3A_28 = tpu.sem_alloc : memref<!tpu.dma_semaphore, #tpu.memory_space<semaphore_mem>>
      %dma_start3A_29 = arith.constant 0 : i32
      %dma_start3A_30 = arith.constant 0 : i32
      %dma_start3A_31 = tpu.memref_slice %arg3[%run_scoped3A_3, %add3A, %dma_start3A_29, %dma_start3A_30] : memref<2x32x125x80xi32, #tpu.memory_space<hbm>> -> memref<1x1x125x80xi32, #tpu.memory_space<hbm>>
      %dma_start3A_32 = tpu.memref_squeeze %dma_start3A_31 : memref<1x1x125x80xi32, #tpu.memory_space<hbm>> -> memref<125x80xi32, #tpu.memory_space<hbm>>
      %dma_start3A_33 = arith.constant 0 : i32
      %dma_start3A_34 = arith.constant 0 : i32
      %dma_start3A_35 = tpu.memref_slice %arg3[%run_scoped3A_3, %add3A, %dma_start3A_33, %dma_start3A_34] : memref<2x32x125x80xi32, #tpu.memory_space<hbm>> -> memref<1x1x125x80xi32, #tpu.memory_space<hbm>>
      %dma_start3A_36 = tpu.memref_squeeze %dma_start3A_35 : memref<1x1x125x80xi32, #tpu.memory_space<hbm>> -> memref<125x80xi32, #tpu.memory_space<hbm>>
      tpu.enqueue_dma source(%dma_start3A_36 : memref<125x80xi32, #tpu.memory_space<hbm>>) target(%arg7 : memref<125x80xi32, #tpu.memory_space<vmem>>) target_semaphore(%run_scoped3A_28 : memref<!tpu.dma_semaphore, #tpu.memory_space<semaphore_mem>>)
      %dma_wait3A_37 = arith.constant 0 : i32
      %dma_wait3A_38 = arith.constant 0 : i32
      %dma_wait3A_39 = tpu.memref_slice %arg3[%run_scoped3A_3, %add3A, %dma_wait3A_37, %dma_wait3A_38] : memref<2x32x125x80xi32, #tpu.memory_space<hbm>> -> memref<1x1x125x80xi32, #tpu.memory_space<hbm>>
      %dma_wait3A_40 = tpu.memref_squeeze %dma_wait3A_39 : memref<1x1x125x80xi32, #tpu.memory_space<hbm>> -> memref<125x80xi32, #tpu.memory_space<hbm>>
      %dma_wait3A_41 = arith.constant 0 : i32
      %dma_wait3A_42 = arith.constant 0 : i32
      %dma_wait3A_43 = tpu.memref_slice %arg3[%run_scoped3A_3, %add3A, %dma_wait3A_41, %dma_wait3A_42] : memref<2x32x125x80xi32, #tpu.memory_space<hbm>> -> memref<1x1x125x80xi32, #tpu.memory_space<hbm>>
      %dma_wait3A_44 = tpu.memref_squeeze %dma_wait3A_43 : memref<1x1x125x80xi32, #tpu.memory_space<hbm>> -> memref<125x80xi32, #tpu.memory_space<hbm>>
      tpu.wait_dma2 semaphore(%run_scoped3A_28 : memref<!tpu.dma_semaphore, #tpu.memory_space<semaphore_mem>>) src(%dma_wait3A_44 : memref<125x80xi32, #tpu.memory_space<hbm>>) dst(%arg7 : memref<125x80xi32, #tpu.memory_space<vmem>>)
      tpu.yield
    }) : () -> ()
    %barrier3A = arith.constant 0 : index
    tpu.barrier barrier_id(%barrier3A)
    %dma_start3A = arith.constant 0 : i32
    %dma_start3A_4 = arith.constant 0 : i32
    %dma_start3A_5 = tpu.memref_slice %arg6[%dma_start3A, %dma_start3A_4] : memref<125x80xi32, #tpu.memory_space<vmem>> -> memref<1x80xi32, #tpu.memory_space<vmem>>
    %dma_start3A_6 = tpu.memref_squeeze %dma_start3A_5 : memref<1x80xi32, #tpu.memory_space<vmem>> -> memref<80xi32, #tpu.memory_space<vmem>>
    %dma_start3A_7 = arith.constant 0 : i32
    %dma_start3A_8 = arith.constant 0 : i32
    %dma_start3A_9 = tpu.memref_slice %arg2[%dma_start3A_7, %dma_start3A_8] : memref<10000x128xf32, #tpu.memory_space<hbm>> -> memref<10000x128xf32, #tpu.memory_space<hbm>>
    tpu.enqueue_indirect_dma source(%dma_start3A_9 : memref<10000x128xf32, #tpu.memory_space<hbm>>) target(%arg8 : memref<80x128xf32, #tpu.memory_space<vmem>>) offsets(%dma_start3A_6 : memref<80xi32, #tpu.memory_space<vmem>>) semaphore(%arg11 : memref<!tpu.dma_semaphore, #tpu.memory_space<semaphore_mem>>)
    %scan3A = arith.constant 0 : i32
    %scan3A_10 = arith.constant 0 : i32
    %scan3A_11 = arith.constant 62 : i32
    %scan3A_12 = arith.addi %scan3A_10, %scan3A_11 : i32
    %scan3A_13 = arith.constant 1 : i32
    scf.for %scan3A_28 = %scan3A_10 to %scan3A_12 step %scan3A_13  : i32 {
      %mul3A_29 = arith.constant 2 : i32
      %mul3A_30 = arith.muli %mul3A_29, %scan3A_28 : i32
      %add3A_31 = arith.constant 1 : i32
      %add3A_32 = arith.addi %mul3A_30, %add3A_31 : i32
      %dma_start3A_33 = arith.constant 0 : i32
      %dma_start3A_34 = tpu.memref_slice %arg6[%add3A_32, %dma_start3A_33] : memref<125x80xi32, #tpu.memory_space<vmem>> -> memref<1x80xi32, #tpu.memory_space<vmem>>
      %dma_start3A_35 = tpu.memref_squeeze %dma_start3A_34 : memref<1x80xi32, #tpu.memory_space<vmem>> -> memref<80xi32, #tpu.memory_space<vmem>>
      %dma_start3A_36 = arith.constant 0 : i32
      %dma_start3A_37 = arith.constant 0 : i32
      %dma_start3A_38 = tpu.memref_slice %arg2[%dma_start3A_36, %dma_start3A_37] : memref<10000x128xf32, #tpu.memory_space<hbm>> -> memref<10000x128xf32, #tpu.memory_space<hbm>>
      tpu.enqueue_indirect_dma source(%dma_start3A_38 : memref<10000x128xf32, #tpu.memory_space<hbm>>) target(%arg9 : memref<80x128xf32, #tpu.memory_space<vmem>>) offsets(%dma_start3A_35 : memref<80xi32, #tpu.memory_space<vmem>>) semaphore(%arg12 : memref<!tpu.dma_semaphore, #tpu.memory_space<semaphore_mem>>)
      %dma_wait3A_39 = arith.constant 0 : i32
      %dma_wait3A_40 = tpu.memref_slice %arg6[%mul3A_30, %dma_wait3A_39] : memref<125x80xi32, #tpu.memory_space<vmem>> -> memref<1x80xi32, #tpu.memory_space<vmem>>
      %dma_wait3A_41 = tpu.memref_squeeze %dma_wait3A_40 : memref<1x80xi32, #tpu.memory_space<vmem>> -> memref<80xi32, #tpu.memory_space<vmem>>
      %dma_wait3A_42 = arith.constant 0 : i32
      %dma_wait3A_43 = arith.constant 0 : i32
      %dma_wait3A_44 = tpu.memref_slice %arg2[%dma_wait3A_42, %dma_wait3A_43] : memref<10000x128xf32, #tpu.memory_space<hbm>> -> memref<10000x128xf32, #tpu.memory_space<hbm>>
      tpu.wait_indirect_dma semaphore(%arg11 : memref<!tpu.dma_semaphore, #tpu.memory_space<semaphore_mem>>) src(%dma_wait3A_44 : memref<10000x128xf32, #tpu.memory_space<hbm>>) dst(%arg8 : memref<80x128xf32, #tpu.memory_space<vmem>>)
      "tpu.region"() ({
        %run_scoped3A_61 = tpu.sem_alloc : memref<!tpu.dma_semaphore, #tpu.memory_space<semaphore_mem>>
        %dma_start3A_62 = arith.constant 0 : i32
        %dma_start3A_63 = tpu.memref_slice %arg7[%mul3A_30, %dma_start3A_62] : memref<125x80xi32, #tpu.memory_space<vmem>> -> memref<1x80xi32, #tpu.memory_space<vmem>>
        %dma_start3A_64 = tpu.memref_squeeze %dma_start3A_63 : memref<1x80xi32, #tpu.memory_space<vmem>> -> memref<80xi32, #tpu.memory_space<vmem>>
        %dma_start3A_65 = arith.constant 0 : i32
        %dma_start3A_66 = arith.constant 0 : i32
        %dma_start3A_67 = tpu.memref_slice %arg10[%dma_start3A_65, %dma_start3A_66] : memref<10000x128xf32, #tpu.memory_space<vmem_shared>> -> memref<10000x128xf32, #tpu.memory_space<vmem_shared>>
        tpu.enqueue_indirect_dma source(%arg8 : memref<80x128xf32, #tpu.memory_space<vmem>>) target(%dma_start3A_67 : memref<10000x128xf32, #tpu.memory_space<vmem_shared>>) offsets(%dma_start3A_64 : memref<80xi32, #tpu.memory_space<vmem>>) semaphore(%run_scoped3A_61 : memref<!tpu.dma_semaphore, #tpu.memory_space<semaphore_mem>>) {add = true}
        %dma_wait3A_68 = arith.constant 0 : i32
        %dma_wait3A_69 = tpu.memref_slice %arg7[%mul3A_30, %dma_wait3A_68] : memref<125x80xi32, #tpu.memory_space<vmem>> -> memref<1x80xi32, #tpu.memory_space<vmem>>
        %dma_wait3A_70 = tpu.memref_squeeze %dma_wait3A_69 : memref<1x80xi32, #tpu.memory_space<vmem>> -> memref<80xi32, #tpu.memory_space<vmem>>
        %dma_wait3A_71 = arith.constant 0 : i32
        %dma_wait3A_72 = arith.constant 0 : i32
        %dma_wait3A_73 = tpu.memref_slice %arg10[%dma_wait3A_71, %dma_wait3A_72] : memref<10000x128xf32, #tpu.memory_space<vmem_shared>> -> memref<10000x128xf32, #tpu.memory_space<vmem_shared>>
        tpu.wait_indirect_dma semaphore(%run_scoped3A_61 : memref<!tpu.dma_semaphore, #tpu.memory_space<semaphore_mem>>) src(%arg8 : memref<80x128xf32, #tpu.memory_space<vmem>>) dst(%dma_wait3A_73 : memref<10000x128xf32, #tpu.memory_space<vmem_shared>>)
        tpu.yield
      }) : () -> ()
      %add3A_45 = arith.constant 2 : i32
      %add3A_46 = arith.addi %mul3A_30, %add3A_45 : i32
      %dma_start3A_47 = arith.constant 0 : i32
      %dma_start3A_48 = tpu.memref_slice %arg6[%add3A_46, %dma_start3A_47] : memref<125x80xi32, #tpu.memory_space<vmem>> -> memref<1x80xi32, #tpu.memory_space<vmem>>
      %dma_start3A_49 = tpu.memref_squeeze %dma_start3A_48 : memref<1x80xi32, #tpu.memory_space<vmem>> -> memref<80xi32, #tpu.memory_space<vmem>>
      %dma_start3A_50 = arith.constant 0 : i32
      %dma_start3A_51 = arith.constant 0 : i32
      %dma_start3A_52 = tpu.memref_slice %arg2[%dma_start3A_50, %dma_start3A_51] : memref<10000x128xf32, #tpu.memory_space<hbm>> -> memref<10000x128xf32, #tpu.memory_space<hbm>>
      tpu.enqueue_indirect_dma source(%dma_start3A_52 : memref<10000x128xf32, #tpu.memory_space<hbm>>) target(%arg8 : memref<80x128xf32, #tpu.memory_space<vmem>>) offsets(%dma_start3A_49 : memref<80xi32, #tpu.memory_space<vmem>>) semaphore(%arg11 : memref<!tpu.dma_semaphore, #tpu.memory_space<semaphore_mem>>)
      %add3A_53 = arith.constant 1 : i32
      %add3A_54 = arith.addi %mul3A_30, %add3A_53 : i32
      %dma_wait3A_55 = arith.constant 0 : i32
      %dma_wait3A_56 = tpu.memref_slice %arg6[%add3A_54, %dma_wait3A_55] : memref<125x80xi32, #tpu.memory_space<vmem>> -> memref<1x80xi32, #tpu.memory_space<vmem>>
      %dma_wait3A_57 = tpu.memref_squeeze %dma_wait3A_56 : memref<1x80xi32, #tpu.memory_space<vmem>> -> memref<80xi32, #tpu.memory_space<vmem>>
      %dma_wait3A_58 = arith.constant 0 : i32
      %dma_wait3A_59 = arith.constant 0 : i32
      %dma_wait3A_60 = tpu.memref_slice %arg2[%dma_wait3A_58, %dma_wait3A_59] : memref<10000x128xf32, #tpu.memory_space<hbm>> -> memref<10000x128xf32, #tpu.memory_space<hbm>>
      tpu.wait_indirect_dma semaphore(%arg12 : memref<!tpu.dma_semaphore, #tpu.memory_space<semaphore_mem>>) src(%dma_wait3A_60 : memref<10000x128xf32, #tpu.memory_space<hbm>>) dst(%arg9 : memref<80x128xf32, #tpu.memory_space<vmem>>)
      "tpu.region"() ({
        %run_scoped3A_61 = tpu.sem_alloc : memref<!tpu.dma_semaphore, #tpu.memory_space<semaphore_mem>>
        %dma_start3A_62 = arith.constant 0 : i32
        %dma_start3A_63 = tpu.memref_slice %arg7[%add3A_54, %dma_start3A_62] : memref<125x80xi32, #tpu.memory_space<vmem>> -> memref<1x80xi32, #tpu.memory_space<vmem>>
        %dma_start3A_64 = tpu.memref_squeeze %dma_start3A_63 : memref<1x80xi32, #tpu.memory_space<vmem>> -> memref<80xi32, #tpu.memory_space<vmem>>
        %dma_start3A_65 = arith.constant 0 : i32
        %dma_start3A_66 = arith.constant 0 : i32
        %dma_start3A_67 = tpu.memref_slice %arg10[%dma_start3A_65, %dma_start3A_66] : memref<10000x128xf32, #tpu.memory_space<vmem_shared>> -> memref<10000x128xf32, #tpu.memory_space<vmem_shared>>
        tpu.enqueue_indirect_dma source(%arg9 : memref<80x128xf32, #tpu.memory_space<vmem>>) target(%dma_start3A_67 : memref<10000x128xf32, #tpu.memory_space<vmem_shared>>) offsets(%dma_start3A_64 : memref<80xi32, #tpu.memory_space<vmem>>) semaphore(%run_scoped3A_61 : memref<!tpu.dma_semaphore, #tpu.memory_space<semaphore_mem>>) {add = true}
        %dma_wait3A_68 = arith.constant 0 : i32
        %dma_wait3A_69 = tpu.memref_slice %arg7[%add3A_54, %dma_wait3A_68] : memref<125x80xi32, #tpu.memory_space<vmem>> -> memref<1x80xi32, #tpu.memory_space<vmem>>
        %dma_wait3A_70 = tpu.memref_squeeze %dma_wait3A_69 : memref<1x80xi32, #tpu.memory_space<vmem>> -> memref<80xi32, #tpu.memory_space<vmem>>
        %dma_wait3A_71 = arith.constant 0 : i32
        %dma_wait3A_72 = arith.constant 0 : i32
        %dma_wait3A_73 = tpu.memref_slice %arg10[%dma_wait3A_71, %dma_wait3A_72] : memref<10000x128xf32, #tpu.memory_space<vmem_shared>> -> memref<10000x128xf32, #tpu.memory_space<vmem_shared>>
        tpu.wait_indirect_dma semaphore(%run_scoped3A_61 : memref<!tpu.dma_semaphore, #tpu.memory_space<semaphore_mem>>) src(%arg9 : memref<80x128xf32, #tpu.memory_space<vmem>>) dst(%dma_wait3A_73 : memref<10000x128xf32, #tpu.memory_space<vmem_shared>>)
        tpu.yield
      }) : () -> ()
    }
    %scan3A_14 = arith.constant 62 : i32
    %dma_wait3A = arith.constant 124 : i32
    %dma_wait3A_15 = arith.constant 0 : i32
    %dma_wait3A_16 = tpu.memref_slice %arg6[%dma_wait3A, %dma_wait3A_15] : memref<125x80xi32, #tpu.memory_space<vmem>> -> memref<1x80xi32, #tpu.memory_space<vmem>>
    %dma_wait3A_17 = tpu.memref_squeeze %dma_wait3A_16 : memref<1x80xi32, #tpu.memory_space<vmem>> -> memref<80xi32, #tpu.memory_space<vmem>>
    %dma_wait3A_18 = arith.constant 0 : i32
    %dma_wait3A_19 = arith.constant 0 : i32
    %dma_wait3A_20 = tpu.memref_slice %arg2[%dma_wait3A_18, %dma_wait3A_19] : memref<10000x128xf32, #tpu.memory_space<hbm>> -> memref<10000x128xf32, #tpu.memory_space<hbm>>
    tpu.wait_indirect_dma semaphore(%arg11 : memref<!tpu.dma_semaphore, #tpu.memory_space<semaphore_mem>>) src(%dma_wait3A_20 : memref<10000x128xf32, #tpu.memory_space<hbm>>) dst(%arg8 : memref<80x128xf32, #tpu.memory_space<vmem>>)
    %run_scoped3A_21 = arith.constant 124 : i32
    "tpu.region"() ({
      %run_scoped3A_28 = tpu.sem_alloc : memref<!tpu.dma_semaphore, #tpu.memory_space<semaphore_mem>>
      %dma_start3A_29 = arith.constant 0 : i32
      %dma_start3A_30 = tpu.memref_slice %arg7[%run_scoped3A_21, %dma_start3A_29] : memref<125x80xi32, #tpu.memory_space<vmem>> -> memref<1x80xi32, #tpu.memory_space<vmem>>
      %dma_start3A_31 = tpu.memref_squeeze %dma_start3A_30 : memref<1x80xi32, #tpu.memory_space<vmem>> -> memref<80xi32, #tpu.memory_space<vmem>>
      %dma_start3A_32 = arith.constant 0 : i32
      %dma_start3A_33 = arith.constant 0 : i32
      %dma_start3A_34 = tpu.memref_slice %arg10[%dma_start3A_32, %dma_start3A_33] : memref<10000x128xf32, #tpu.memory_space<vmem_shared>> -> memref<10000x128xf32, #tpu.memory_space<vmem_shared>>
      tpu.enqueue_indirect_dma source(%arg8 : memref<80x128xf32, #tpu.memory_space<vmem>>) target(%dma_start3A_34 : memref<10000x128xf32, #tpu.memory_space<vmem_shared>>) offsets(%dma_start3A_31 : memref<80xi32, #tpu.memory_space<vmem>>) semaphore(%run_scoped3A_28 : memref<!tpu.dma_semaphore, #tpu.memory_space<semaphore_mem>>) {add = true}
      %dma_wait3A_35 = arith.constant 0 : i32
      %dma_wait3A_36 = tpu.memref_slice %arg7[%run_scoped3A_21, %dma_wait3A_35] : memref<125x80xi32, #tpu.memory_space<vmem>> -> memref<1x80xi32, #tpu.memory_space<vmem>>
      %dma_wait3A_37 = tpu.memref_squeeze %dma_wait3A_36 : memref<1x80xi32, #tpu.memory_space<vmem>> -> memref<80xi32, #tpu.memory_space<vmem>>
      %dma_wait3A_38 = arith.constant 0 : i32
      %dma_wait3A_39 = arith.constant 0 : i32
      %dma_wait3A_40 = tpu.memref_slice %arg10[%dma_wait3A_38, %dma_wait3A_39] : memref<10000x128xf32, #tpu.memory_space<vmem_shared>> -> memref<10000x128xf32, #tpu.memory_space<vmem_shared>>
      tpu.wait_indirect_dma semaphore(%run_scoped3A_28 : memref<!tpu.dma_semaphore, #tpu.memory_space<semaphore_mem>>) src(%arg8 : memref<80x128xf32, #tpu.memory_space<vmem>>) dst(%dma_wait3A_40 : memref<10000x128xf32, #tpu.memory_space<vmem_shared>>)
      tpu.yield
    }) : () -> ()
    %barrier3A_22 = arith.constant 0 : index
    tpu.barrier barrier_id(%barrier3A_22)
    %lt3A_23 = arith.constant 10 : i32
    %lt3A_24 = arith.cmpi slt, %arg1, %lt3A_23 : i32
    %convert_element_type3A_25 = arith.extui %lt3A_24 : i1 to i32
    %cond3A_26 = arith.constant 0 : i32
    %cond3A_27 = arith.cmpi ne, %convert_element_type3A_25, %cond3A_26 : i32
    scf.if %cond3A_27 {
      %mul3A_28 = arith.constant 1000 : i32
      %mul3A_29 = arith.muli %arg1, %mul3A_28 : i32
      "tpu.region"() ({
        %run_scoped3A_30 = tpu.sem_alloc : memref<!tpu.dma_semaphore, #tpu.memory_space<semaphore_mem>>
        %dma_start3A_31 = arith.constant 0 : i32
        %dma_start3A_32 = tpu.memref_slice %arg5[%arg0, %mul3A_29, %dma_start3A_31] : memref<2x10000x128xf32, #tpu.memory_space<hbm>> -> memref<1x1000x128xf32, #tpu.memory_space<hbm>>
        %dma_start3A_33 = tpu.memref_squeeze %dma_start3A_32 : memref<1x1000x128xf32, #tpu.memory_space<hbm>> -> memref<1000x128xf32, #tpu.memory_space<hbm>>
        %dma_start3A_34 = arith.constant 0 : i32
        %dma_start3A_35 = tpu.memref_slice %arg10[%mul3A_29, %dma_start3A_34] : memref<10000x128xf32, #tpu.memory_space<vmem_shared>> -> memref<1000x128xf32, #tpu.memory_space<vmem_shared>>
        tpu.enqueue_dma source(%dma_start3A_35 : memref<1000x128xf32, #tpu.memory_space<vmem_shared>>) target(%dma_start3A_33 : memref<1000x128xf32, #tpu.memory_space<hbm>>) target_semaphore(%run_scoped3A_30 : memref<!tpu.dma_semaphore, #tpu.memory_space<semaphore_mem>>)
        %dma_wait3A_36 = arith.constant 0 : i32
        %dma_wait3A_37 = tpu.memref_slice %arg5[%arg0, %mul3A_29, %dma_wait3A_36] : memref<2x10000x128xf32, #tpu.memory_space<hbm>> -> memref<1x1000x128xf32, #tpu.memory_space<hbm>>
        %dma_wait3A_38 = tpu.memref_squeeze %dma_wait3A_37 : memref<1x1000x128xf32, #tpu.memory_space<hbm>> -> memref<1000x128xf32, #tpu.memory_space<hbm>>
        %dma_wait3A_39 = arith.constant 0 : i32
        %dma_wait3A_40 = tpu.memref_slice %arg10[%mul3A_29, %dma_wait3A_39] : memref<10000x128xf32, #tpu.memory_space<vmem_shared>> -> memref<1000x128xf32, #tpu.memory_space<vmem_shared>>
        tpu.wait_dma2 semaphore(%run_scoped3A_30 : memref<!tpu.dma_semaphore, #tpu.memory_space<semaphore_mem>>) src(%dma_wait3A_40 : memref<1000x128xf32, #tpu.memory_space<vmem_shared>>) dst(%dma_wait3A_38 : memref<1000x128xf32, #tpu.memory_space<hbm>>)
        tpu.yield
      }) : () -> ()
    } else {
    }
    return
  }
}

#map = affine_map<(d0, d1) -> (0, 0, 0, 0)>
#map1 = affine_map<(d0, d1) -> (0, 0)>
#map2 = affine_map<(d0, d1) -> (0, 0, 0)>
module attributes {stable_mosaic.version = 14 : i64} {
  func.func @_sc_degree(%arg0: i32, %arg1: i32, %arg2: memref<2x32x125x80xi32, #tpu.memory_space<hbm>>, %arg3: memref<80x16xf32, #tpu.memory_space<hbm>>, %arg4: memref<10000x16xf32, #tpu.memory_space<hbm>>, %arg5: memref<2x10000x16xf32, #tpu.memory_space<hbm>>, %arg6: memref<125x80xi32, #tpu.memory_space<vmem>>, %arg7: memref<80x16xf32, #tpu.memory_space<vmem>>, %arg8: memref<10000x16xf32, #tpu.memory_space<vmem_shared>>) attributes {dimension_semantics = [#tpu.dimension_semantics<core_parallel>, #tpu.dimension_semantics<subcore_parallel>], iteration_bounds = array<i64: 2, 16>, scalar_prefetch = 0 : i64, scratch_operands = 3 : i64, tpu.core_type = #tpu.core_type<sc_vector_subcore>, window_params = [{transform_indices = #map}, {transform_indices = #map1}, {transform_indices = #map1}, {transform_indices = #map2}]} {
    %mul3A = arith.constant 16 : i32
    %mul3A_0 = arith.muli %arg0, %mul3A : i32
    %add3A = arith.addi %mul3A_0, %arg1 : i32
    %lt3A = arith.constant 10 : i32
    %lt3A_1 = arith.cmpi slt, %arg1, %lt3A : i32
    %convert_element_type3A = arith.extui %lt3A_1 : i1 to i32
    %cond3A = arith.constant 0 : i32
    %cond3A_2 = arith.cmpi ne, %convert_element_type3A, %cond3A : i32
    scf.if %cond3A_2 {
      %mul3A_14 = arith.constant 1000 : i32
      %mul3A_15 = arith.muli %arg1, %mul3A_14 : i32
      "tpu.region"() ({
        %run_scoped3A_16 = tpu.sem_alloc : memref<!tpu.dma_semaphore, #tpu.memory_space<semaphore_mem>>
        %dma_start3A = arith.constant 0 : i32
        %dma_start3A_17 = tpu.memref_slice %arg8[%mul3A_15, %dma_start3A] : memref<10000x16xf32, #tpu.memory_space<vmem_shared>> -> memref<1000x16xf32, #tpu.memory_space<vmem_shared>>
        %dma_start3A_18 = arith.constant 0 : i32
        %dma_start3A_19 = tpu.memref_slice %arg4[%mul3A_15, %dma_start3A_18] : memref<10000x16xf32, #tpu.memory_space<hbm>> -> memref<1000x16xf32, #tpu.memory_space<hbm>>
        tpu.enqueue_dma source(%dma_start3A_19 : memref<1000x16xf32, #tpu.memory_space<hbm>>) target(%dma_start3A_17 : memref<1000x16xf32, #tpu.memory_space<vmem_shared>>) target_semaphore(%run_scoped3A_16 : memref<!tpu.dma_semaphore, #tpu.memory_space<semaphore_mem>>)
        %dma_wait3A = arith.constant 0 : i32
        %dma_wait3A_20 = tpu.memref_slice %arg8[%mul3A_15, %dma_wait3A] : memref<10000x16xf32, #tpu.memory_space<vmem_shared>> -> memref<1000x16xf32, #tpu.memory_space<vmem_shared>>
        %dma_wait3A_21 = arith.constant 0 : i32
        %dma_wait3A_22 = tpu.memref_slice %arg4[%mul3A_15, %dma_wait3A_21] : memref<10000x16xf32, #tpu.memory_space<hbm>> -> memref<1000x16xf32, #tpu.memory_space<hbm>>
        tpu.wait_dma2 semaphore(%run_scoped3A_16 : memref<!tpu.dma_semaphore, #tpu.memory_space<semaphore_mem>>) src(%dma_wait3A_22 : memref<1000x16xf32, #tpu.memory_space<hbm>>) dst(%dma_wait3A_20 : memref<1000x16xf32, #tpu.memory_space<vmem_shared>>)
        tpu.yield
      }) : () -> ()
    } else {
    }
    %run_scoped3A = arith.constant 1 : i32
    "tpu.region"() ({
      %run_scoped3A_14 = tpu.sem_alloc : memref<!tpu.dma_semaphore, #tpu.memory_space<semaphore_mem>>
      %dma_start3A = arith.constant 0 : i32
      %dma_start3A_15 = arith.constant 0 : i32
      %dma_start3A_16 = tpu.memref_slice %arg2[%run_scoped3A, %add3A, %dma_start3A, %dma_start3A_15] : memref<2x32x125x80xi32, #tpu.memory_space<hbm>> -> memref<1x1x125x80xi32, #tpu.memory_space<hbm>>
      %dma_start3A_17 = tpu.memref_squeeze %dma_start3A_16 : memref<1x1x125x80xi32, #tpu.memory_space<hbm>> -> memref<125x80xi32, #tpu.memory_space<hbm>>
      %dma_start3A_18 = arith.constant 0 : i32
      %dma_start3A_19 = arith.constant 0 : i32
      %dma_start3A_20 = tpu.memref_slice %arg2[%run_scoped3A, %add3A, %dma_start3A_18, %dma_start3A_19] : memref<2x32x125x80xi32, #tpu.memory_space<hbm>> -> memref<1x1x125x80xi32, #tpu.memory_space<hbm>>
      %dma_start3A_21 = tpu.memref_squeeze %dma_start3A_20 : memref<1x1x125x80xi32, #tpu.memory_space<hbm>> -> memref<125x80xi32, #tpu.memory_space<hbm>>
      tpu.enqueue_dma source(%dma_start3A_21 : memref<125x80xi32, #tpu.memory_space<hbm>>) target(%arg6 : memref<125x80xi32, #tpu.memory_space<vmem>>) target_semaphore(%run_scoped3A_14 : memref<!tpu.dma_semaphore, #tpu.memory_space<semaphore_mem>>)
      %dma_wait3A = arith.constant 0 : i32
      %dma_wait3A_22 = arith.constant 0 : i32
      %dma_wait3A_23 = tpu.memref_slice %arg2[%run_scoped3A, %add3A, %dma_wait3A, %dma_wait3A_22] : memref<2x32x125x80xi32, #tpu.memory_space<hbm>> -> memref<1x1x125x80xi32, #tpu.memory_space<hbm>>
      %dma_wait3A_24 = tpu.memref_squeeze %dma_wait3A_23 : memref<1x1x125x80xi32, #tpu.memory_space<hbm>> -> memref<125x80xi32, #tpu.memory_space<hbm>>
      %dma_wait3A_25 = arith.constant 0 : i32
      %dma_wait3A_26 = arith.constant 0 : i32
      %dma_wait3A_27 = tpu.memref_slice %arg2[%run_scoped3A, %add3A, %dma_wait3A_25, %dma_wait3A_26] : memref<2x32x125x80xi32, #tpu.memory_space<hbm>> -> memref<1x1x125x80xi32, #tpu.memory_space<hbm>>
      %dma_wait3A_28 = tpu.memref_squeeze %dma_wait3A_27 : memref<1x1x125x80xi32, #tpu.memory_space<hbm>> -> memref<125x80xi32, #tpu.memory_space<hbm>>
      tpu.wait_dma2 semaphore(%run_scoped3A_14 : memref<!tpu.dma_semaphore, #tpu.memory_space<semaphore_mem>>) src(%dma_wait3A_28 : memref<125x80xi32, #tpu.memory_space<hbm>>) dst(%arg6 : memref<125x80xi32, #tpu.memory_space<vmem>>)
      tpu.yield
    }) : () -> ()
    "tpu.region"() ({
      %run_scoped3A_14 = tpu.sem_alloc : memref<!tpu.dma_semaphore, #tpu.memory_space<semaphore_mem>>
      tpu.enqueue_dma source(%arg3 : memref<80x16xf32, #tpu.memory_space<hbm>>) target(%arg7 : memref<80x16xf32, #tpu.memory_space<vmem>>) target_semaphore(%run_scoped3A_14 : memref<!tpu.dma_semaphore, #tpu.memory_space<semaphore_mem>>)
      tpu.wait_dma2 semaphore(%run_scoped3A_14 : memref<!tpu.dma_semaphore, #tpu.memory_space<semaphore_mem>>) src(%arg3 : memref<80x16xf32, #tpu.memory_space<hbm>>) dst(%arg7 : memref<80x16xf32, #tpu.memory_space<vmem>>)
      tpu.yield
    }) : () -> ()
    %barrier3A = arith.constant 0 : index
    tpu.barrier barrier_id(%barrier3A)
    %scan3A = arith.constant 0 : i32
    %scan3A_3 = arith.constant 0 : i32
    %scan3A_4 = arith.constant 125 : i32
    %scan3A_5 = arith.addi %scan3A_3, %scan3A_4 : i32
    %scan3A_6 = arith.constant 1 : i32
    scf.for %scan3A_14 = %scan3A_3 to %scan3A_5 step %scan3A_6  : i32 {
      "tpu.region"() ({
        %run_scoped3A_15 = tpu.sem_alloc : memref<!tpu.dma_semaphore, #tpu.memory_space<semaphore_mem>>
        %dma_start3A = arith.constant 0 : i32
        %dma_start3A_16 = tpu.memref_slice %arg6[%scan3A_14, %dma_start3A] : memref<125x80xi32, #tpu.memory_space<vmem>> -> memref<1x80xi32, #tpu.memory_space<vmem>>
        %dma_start3A_17 = tpu.memref_squeeze %dma_start3A_16 : memref<1x80xi32, #tpu.memory_space<vmem>> -> memref<80xi32, #tpu.memory_space<vmem>>
        %dma_start3A_18 = arith.constant 0 : i32
        %dma_start3A_19 = arith.constant 0 : i32
        %dma_start3A_20 = tpu.memref_slice %arg8[%dma_start3A_18, %dma_start3A_19] : memref<10000x16xf32, #tpu.memory_space<vmem_shared>> -> memref<10000x16xf32, #tpu.memory_space<vmem_shared>>
        tpu.enqueue_indirect_dma source(%arg7 : memref<80x16xf32, #tpu.memory_space<vmem>>) target(%dma_start3A_20 : memref<10000x16xf32, #tpu.memory_space<vmem_shared>>) offsets(%dma_start3A_17 : memref<80xi32, #tpu.memory_space<vmem>>) semaphore(%run_scoped3A_15 : memref<!tpu.dma_semaphore, #tpu.memory_space<semaphore_mem>>) {add = true}
        %dma_wait3A = arith.constant 0 : i32
        %dma_wait3A_21 = tpu.memref_slice %arg6[%scan3A_14, %dma_wait3A] : memref<125x80xi32, #tpu.memory_space<vmem>> -> memref<1x80xi32, #tpu.memory_space<vmem>>
        %dma_wait3A_22 = tpu.memref_squeeze %dma_wait3A_21 : memref<1x80xi32, #tpu.memory_space<vmem>> -> memref<80xi32, #tpu.memory_space<vmem>>
        %dma_wait3A_23 = arith.constant 0 : i32
        %dma_wait3A_24 = arith.constant 0 : i32
        %dma_wait3A_25 = tpu.memref_slice %arg8[%dma_wait3A_23, %dma_wait3A_24] : memref<10000x16xf32, #tpu.memory_space<vmem_shared>> -> memref<10000x16xf32, #tpu.memory_space<vmem_shared>>
        tpu.wait_indirect_dma semaphore(%run_scoped3A_15 : memref<!tpu.dma_semaphore, #tpu.memory_space<semaphore_mem>>) src(%arg7 : memref<80x16xf32, #tpu.memory_space<vmem>>) dst(%dma_wait3A_25 : memref<10000x16xf32, #tpu.memory_space<vmem_shared>>)
        tpu.yield
      }) : () -> ()
    }
    %scan3A_7 = arith.constant 125 : i32
    %barrier3A_8 = arith.constant 0 : index
    tpu.barrier barrier_id(%barrier3A_8)
    %lt3A_9 = arith.constant 10 : i32
    %lt3A_10 = arith.cmpi slt, %arg1, %lt3A_9 : i32
    %convert_element_type3A_11 = arith.extui %lt3A_10 : i1 to i32
    %cond3A_12 = arith.constant 0 : i32
    %cond3A_13 = arith.cmpi ne, %convert_element_type3A_11, %cond3A_12 : i32
    scf.if %cond3A_13 {
      %mul3A_14 = arith.constant 1000 : i32
      %mul3A_15 = arith.muli %arg1, %mul3A_14 : i32
      "tpu.region"() ({
        %run_scoped3A_16 = tpu.sem_alloc : memref<!tpu.dma_semaphore, #tpu.memory_space<semaphore_mem>>
        %dma_start3A = arith.constant 0 : i32
        %dma_start3A_17 = tpu.memref_slice %arg5[%arg0, %mul3A_15, %dma_start3A] : memref<2x10000x16xf32, #tpu.memory_space<hbm>> -> memref<1x1000x16xf32, #tpu.memory_space<hbm>>
        %dma_start3A_18 = tpu.memref_squeeze %dma_start3A_17 : memref<1x1000x16xf32, #tpu.memory_space<hbm>> -> memref<1000x16xf32, #tpu.memory_space<hbm>>
        %dma_start3A_19 = arith.constant 0 : i32
        %dma_start3A_20 = tpu.memref_slice %arg8[%mul3A_15, %dma_start3A_19] : memref<10000x16xf32, #tpu.memory_space<vmem_shared>> -> memref<1000x16xf32, #tpu.memory_space<vmem_shared>>
        tpu.enqueue_dma source(%dma_start3A_20 : memref<1000x16xf32, #tpu.memory_space<vmem_shared>>) target(%dma_start3A_18 : memref<1000x16xf32, #tpu.memory_space<hbm>>) target_semaphore(%run_scoped3A_16 : memref<!tpu.dma_semaphore, #tpu.memory_space<semaphore_mem>>)
        %dma_wait3A = arith.constant 0 : i32
        %dma_wait3A_21 = tpu.memref_slice %arg5[%arg0, %mul3A_15, %dma_wait3A] : memref<2x10000x16xf32, #tpu.memory_space<hbm>> -> memref<1x1000x16xf32, #tpu.memory_space<hbm>>
        %dma_wait3A_22 = tpu.memref_squeeze %dma_wait3A_21 : memref<1x1000x16xf32, #tpu.memory_space<hbm>> -> memref<1000x16xf32, #tpu.memory_space<hbm>>
        %dma_wait3A_23 = arith.constant 0 : i32
        %dma_wait3A_24 = tpu.memref_slice %arg8[%mul3A_15, %dma_wait3A_23] : memref<10000x16xf32, #tpu.memory_space<vmem_shared>> -> memref<1000x16xf32, #tpu.memory_space<vmem_shared>>
        tpu.wait_dma2 semaphore(%run_scoped3A_16 : memref<!tpu.dma_semaphore, #tpu.memory_space<semaphore_mem>>) src(%dma_wait3A_24 : memref<1000x16xf32, #tpu.memory_space<vmem_shared>>) dst(%dma_wait3A_22 : memref<1000x16xf32, #tpu.memory_space<hbm>>)
        tpu.yield
      }) : () -> ()
    } else {
    }
    return
  }
}

#map = affine_map<(d0, d1) -> (0, 0)>
#map1 = affine_map<(d0, d1) -> (0, 0, 0, 0)>
#map2 = affine_map<(d0, d1) -> (0, 0, 0)>
module attributes {stable_mosaic.version = 14 : i64} {
  func.func @_sc_agg_16(%arg0: i32, %arg1: i32, %arg2: memref<10000x16xf32, #tpu.memory_space<hbm>>, %arg3: memref<2x32x125x80xi32, #tpu.memory_space<hbm>>, %arg4: memref<10000x16xf32, #tpu.memory_space<hbm>>, %arg5: memref<2x10000x16xf32, #tpu.memory_space<hbm>>, %arg6: memref<125x80xi32, #tpu.memory_space<vmem>>, %arg7: memref<125x80xi32, #tpu.memory_space<vmem>>, %arg8: memref<80x16xf32, #tpu.memory_space<vmem>>, %arg9: memref<80x16xf32, #tpu.memory_space<vmem>>, %arg10: memref<10000x16xf32, #tpu.memory_space<vmem_shared>>, %arg11: memref<10000x16xf32, #tpu.memory_space<vmem_shared>>, %arg12: memref<!tpu.dma_semaphore, #tpu.memory_space<semaphore_mem>>, %arg13: memref<!tpu.dma_semaphore, #tpu.memory_space<semaphore_mem>>) attributes {dimension_semantics = [#tpu.dimension_semantics<core_parallel>, #tpu.dimension_semantics<subcore_parallel>], iteration_bounds = array<i64: 2, 16>, scalar_prefetch = 0 : i64, scratch_operands = 8 : i64, tpu.core_type = #tpu.core_type<sc_vector_subcore>, window_params = [{transform_indices = #map}, {transform_indices = #map1}, {transform_indices = #map}, {transform_indices = #map2}]} {
    %mul3A = arith.constant 16 : i32
    %mul3A_0 = arith.muli %arg0, %mul3A : i32
    %add3A = arith.addi %mul3A_0, %arg1 : i32
    %lt3A = arith.constant 10 : i32
    %lt3A_1 = arith.cmpi slt, %arg1, %lt3A : i32
    %convert_element_type3A = arith.extui %lt3A_1 : i1 to i32
    %cond3A = arith.constant 0 : i32
    %cond3A_2 = arith.cmpi ne, %convert_element_type3A, %cond3A : i32
    scf.if %cond3A_2 {
      %mul3A_28 = arith.constant 1000 : i32
      %mul3A_29 = arith.muli %arg1, %mul3A_28 : i32
      "tpu.region"() ({
        %run_scoped3A_30 = tpu.sem_alloc : memref<!tpu.dma_semaphore, #tpu.memory_space<semaphore_mem>>
        %dma_start3A_31 = arith.constant 0 : i32
        %dma_start3A_32 = tpu.memref_slice %arg10[%mul3A_29, %dma_start3A_31] : memref<10000x16xf32, #tpu.memory_space<vmem_shared>> -> memref<1000x16xf32, #tpu.memory_space<vmem_shared>>
        %dma_start3A_33 = arith.constant 0 : i32
        %dma_start3A_34 = tpu.memref_slice %arg4[%mul3A_29, %dma_start3A_33] : memref<10000x16xf32, #tpu.memory_space<hbm>> -> memref<1000x16xf32, #tpu.memory_space<hbm>>
        tpu.enqueue_dma source(%dma_start3A_34 : memref<1000x16xf32, #tpu.memory_space<hbm>>) target(%dma_start3A_32 : memref<1000x16xf32, #tpu.memory_space<vmem_shared>>) target_semaphore(%run_scoped3A_30 : memref<!tpu.dma_semaphore, #tpu.memory_space<semaphore_mem>>)
        %dma_wait3A_35 = arith.constant 0 : i32
        %dma_wait3A_36 = tpu.memref_slice %arg10[%mul3A_29, %dma_wait3A_35] : memref<10000x16xf32, #tpu.memory_space<vmem_shared>> -> memref<1000x16xf32, #tpu.memory_space<vmem_shared>>
        %dma_wait3A_37 = arith.constant 0 : i32
        %dma_wait3A_38 = tpu.memref_slice %arg4[%mul3A_29, %dma_wait3A_37] : memref<10000x16xf32, #tpu.memory_space<hbm>> -> memref<1000x16xf32, #tpu.memory_space<hbm>>
        tpu.wait_dma2 semaphore(%run_scoped3A_30 : memref<!tpu.dma_semaphore, #tpu.memory_space<semaphore_mem>>) src(%dma_wait3A_38 : memref<1000x16xf32, #tpu.memory_space<hbm>>) dst(%dma_wait3A_36 : memref<1000x16xf32, #tpu.memory_space<vmem_shared>>)
        tpu.yield
      }) : () -> ()
      "tpu.region"() ({
        %run_scoped3A_30 = tpu.sem_alloc : memref<!tpu.dma_semaphore, #tpu.memory_space<semaphore_mem>>
        %dma_start3A_31 = arith.constant 0 : i32
        %dma_start3A_32 = tpu.memref_slice %arg11[%mul3A_29, %dma_start3A_31] : memref<10000x16xf32, #tpu.memory_space<vmem_shared>> -> memref<1000x16xf32, #tpu.memory_space<vmem_shared>>
        %dma_start3A_33 = arith.constant 0 : i32
        %dma_start3A_34 = tpu.memref_slice %arg2[%mul3A_29, %dma_start3A_33] : memref<10000x16xf32, #tpu.memory_space<hbm>> -> memref<1000x16xf32, #tpu.memory_space<hbm>>
        tpu.enqueue_dma source(%dma_start3A_34 : memref<1000x16xf32, #tpu.memory_space<hbm>>) target(%dma_start3A_32 : memref<1000x16xf32, #tpu.memory_space<vmem_shared>>) target_semaphore(%run_scoped3A_30 : memref<!tpu.dma_semaphore, #tpu.memory_space<semaphore_mem>>)
        %dma_wait3A_35 = arith.constant 0 : i32
        %dma_wait3A_36 = tpu.memref_slice %arg11[%mul3A_29, %dma_wait3A_35] : memref<10000x16xf32, #tpu.memory_space<vmem_shared>> -> memref<1000x16xf32, #tpu.memory_space<vmem_shared>>
        %dma_wait3A_37 = arith.constant 0 : i32
        %dma_wait3A_38 = tpu.memref_slice %arg2[%mul3A_29, %dma_wait3A_37] : memref<10000x16xf32, #tpu.memory_space<hbm>> -> memref<1000x16xf32, #tpu.memory_space<hbm>>
        tpu.wait_dma2 semaphore(%run_scoped3A_30 : memref<!tpu.dma_semaphore, #tpu.memory_space<semaphore_mem>>) src(%dma_wait3A_38 : memref<1000x16xf32, #tpu.memory_space<hbm>>) dst(%dma_wait3A_36 : memref<1000x16xf32, #tpu.memory_space<vmem_shared>>)
        tpu.yield
      }) : () -> ()
    } else {
    }
    %run_scoped3A = arith.constant 0 : i32
    "tpu.region"() ({
      %run_scoped3A_28 = tpu.sem_alloc : memref<!tpu.dma_semaphore, #tpu.memory_space<semaphore_mem>>
      %dma_start3A_29 = arith.constant 0 : i32
      %dma_start3A_30 = arith.constant 0 : i32
      %dma_start3A_31 = tpu.memref_slice %arg3[%run_scoped3A, %add3A, %dma_start3A_29, %dma_start3A_30] : memref<2x32x125x80xi32, #tpu.memory_space<hbm>> -> memref<1x1x125x80xi32, #tpu.memory_space<hbm>>
      %dma_start3A_32 = tpu.memref_squeeze %dma_start3A_31 : memref<1x1x125x80xi32, #tpu.memory_space<hbm>> -> memref<125x80xi32, #tpu.memory_space<hbm>>
      %dma_start3A_33 = arith.constant 0 : i32
      %dma_start3A_34 = arith.constant 0 : i32
      %dma_start3A_35 = tpu.memref_slice %arg3[%run_scoped3A, %add3A, %dma_start3A_33, %dma_start3A_34] : memref<2x32x125x80xi32, #tpu.memory_space<hbm>> -> memref<1x1x125x80xi32, #tpu.memory_space<hbm>>
      %dma_start3A_36 = tpu.memref_squeeze %dma_start3A_35 : memref<1x1x125x80xi32, #tpu.memory_space<hbm>> -> memref<125x80xi32, #tpu.memory_space<hbm>>
      tpu.enqueue_dma source(%dma_start3A_36 : memref<125x80xi32, #tpu.memory_space<hbm>>) target(%arg6 : memref<125x80xi32, #tpu.memory_space<vmem>>) target_semaphore(%run_scoped3A_28 : memref<!tpu.dma_semaphore, #tpu.memory_space<semaphore_mem>>)
      %dma_wait3A_37 = arith.constant 0 : i32
      %dma_wait3A_38 = arith.constant 0 : i32
      %dma_wait3A_39 = tpu.memref_slice %arg3[%run_scoped3A, %add3A, %dma_wait3A_37, %dma_wait3A_38] : memref<2x32x125x80xi32, #tpu.memory_space<hbm>> -> memref<1x1x125x80xi32, #tpu.memory_space<hbm>>
      %dma_wait3A_40 = tpu.memref_squeeze %dma_wait3A_39 : memref<1x1x125x80xi32, #tpu.memory_space<hbm>> -> memref<125x80xi32, #tpu.memory_space<hbm>>
      %dma_wait3A_41 = arith.constant 0 : i32
      %dma_wait3A_42 = arith.constant 0 : i32
      %dma_wait3A_43 = tpu.memref_slice %arg3[%run_scoped3A, %add3A, %dma_wait3A_41, %dma_wait3A_42] : memref<2x32x125x80xi32, #tpu.memory_space<hbm>> -> memref<1x1x125x80xi32, #tpu.memory_space<hbm>>
      %dma_wait3A_44 = tpu.memref_squeeze %dma_wait3A_43 : memref<1x1x125x80xi32, #tpu.memory_space<hbm>> -> memref<125x80xi32, #tpu.memory_space<hbm>>
      tpu.wait_dma2 semaphore(%run_scoped3A_28 : memref<!tpu.dma_semaphore, #tpu.memory_space<semaphore_mem>>) src(%dma_wait3A_44 : memref<125x80xi32, #tpu.memory_space<hbm>>) dst(%arg6 : memref<125x80xi32, #tpu.memory_space<vmem>>)
      tpu.yield
    }) : () -> ()
    %run_scoped3A_3 = arith.constant 1 : i32
    "tpu.region"() ({
      %run_scoped3A_28 = tpu.sem_alloc : memref<!tpu.dma_semaphore, #tpu.memory_space<semaphore_mem>>
      %dma_start3A_29 = arith.constant 0 : i32
      %dma_start3A_30 = arith.constant 0 : i32
      %dma_start3A_31 = tpu.memref_slice %arg3[%run_scoped3A_3, %add3A, %dma_start3A_29, %dma_start3A_30] : memref<2x32x125x80xi32, #tpu.memory_space<hbm>> -> memref<1x1x125x80xi32, #tpu.memory_space<hbm>>
      %dma_start3A_32 = tpu.memref_squeeze %dma_start3A_31 : memref<1x1x125x80xi32, #tpu.memory_space<hbm>> -> memref<125x80xi32, #tpu.memory_space<hbm>>
      %dma_start3A_33 = arith.constant 0 : i32
      %dma_start3A_34 = arith.constant 0 : i32
      %dma_start3A_35 = tpu.memref_slice %arg3[%run_scoped3A_3, %add3A, %dma_start3A_33, %dma_start3A_34] : memref<2x32x125x80xi32, #tpu.memory_space<hbm>> -> memref<1x1x125x80xi32, #tpu.memory_space<hbm>>
      %dma_start3A_36 = tpu.memref_squeeze %dma_start3A_35 : memref<1x1x125x80xi32, #tpu.memory_space<hbm>> -> memref<125x80xi32, #tpu.memory_space<hbm>>
      tpu.enqueue_dma source(%dma_start3A_36 : memref<125x80xi32, #tpu.memory_space<hbm>>) target(%arg7 : memref<125x80xi32, #tpu.memory_space<vmem>>) target_semaphore(%run_scoped3A_28 : memref<!tpu.dma_semaphore, #tpu.memory_space<semaphore_mem>>)
      %dma_wait3A_37 = arith.constant 0 : i32
      %dma_wait3A_38 = arith.constant 0 : i32
      %dma_wait3A_39 = tpu.memref_slice %arg3[%run_scoped3A_3, %add3A, %dma_wait3A_37, %dma_wait3A_38] : memref<2x32x125x80xi32, #tpu.memory_space<hbm>> -> memref<1x1x125x80xi32, #tpu.memory_space<hbm>>
      %dma_wait3A_40 = tpu.memref_squeeze %dma_wait3A_39 : memref<1x1x125x80xi32, #tpu.memory_space<hbm>> -> memref<125x80xi32, #tpu.memory_space<hbm>>
      %dma_wait3A_41 = arith.constant 0 : i32
      %dma_wait3A_42 = arith.constant 0 : i32
      %dma_wait3A_43 = tpu.memref_slice %arg3[%run_scoped3A_3, %add3A, %dma_wait3A_41, %dma_wait3A_42] : memref<2x32x125x80xi32, #tpu.memory_space<hbm>> -> memref<1x1x125x80xi32, #tpu.memory_space<hbm>>
      %dma_wait3A_44 = tpu.memref_squeeze %dma_wait3A_43 : memref<1x1x125x80xi32, #tpu.memory_space<hbm>> -> memref<125x80xi32, #tpu.memory_space<hbm>>
      tpu.wait_dma2 semaphore(%run_scoped3A_28 : memref<!tpu.dma_semaphore, #tpu.memory_space<semaphore_mem>>) src(%dma_wait3A_44 : memref<125x80xi32, #tpu.memory_space<hbm>>) dst(%arg7 : memref<125x80xi32, #tpu.memory_space<vmem>>)
      tpu.yield
    }) : () -> ()
    %barrier3A = arith.constant 0 : index
    tpu.barrier barrier_id(%barrier3A)
    %dma_start3A = arith.constant 0 : i32
    %dma_start3A_4 = arith.constant 0 : i32
    %dma_start3A_5 = tpu.memref_slice %arg6[%dma_start3A, %dma_start3A_4] : memref<125x80xi32, #tpu.memory_space<vmem>> -> memref<1x80xi32, #tpu.memory_space<vmem>>
    %dma_start3A_6 = tpu.memref_squeeze %dma_start3A_5 : memref<1x80xi32, #tpu.memory_space<vmem>> -> memref<80xi32, #tpu.memory_space<vmem>>
    %dma_start3A_7 = arith.constant 0 : i32
    %dma_start3A_8 = arith.constant 0 : i32
    %dma_start3A_9 = tpu.memref_slice %arg11[%dma_start3A_7, %dma_start3A_8] : memref<10000x16xf32, #tpu.memory_space<vmem_shared>> -> memref<10000x16xf32, #tpu.memory_space<vmem_shared>>
    tpu.enqueue_indirect_dma source(%dma_start3A_9 : memref<10000x16xf32, #tpu.memory_space<vmem_shared>>) target(%arg8 : memref<80x16xf32, #tpu.memory_space<vmem>>) offsets(%dma_start3A_6 : memref<80xi32, #tpu.memory_space<vmem>>) semaphore(%arg12 : memref<!tpu.dma_semaphore, #tpu.memory_space<semaphore_mem>>)
    %scan3A = arith.constant 0 : i32
    %scan3A_10 = arith.constant 0 : i32
    %scan3A_11 = arith.constant 62 : i32
    %scan3A_12 = arith.addi %scan3A_10, %scan3A_11 : i32
    %scan3A_13 = arith.constant 1 : i32
    scf.for %scan3A_28 = %scan3A_10 to %scan3A_12 step %scan3A_13  : i32 {
      %mul3A_29 = arith.constant 2 : i32
      %mul3A_30 = arith.muli %mul3A_29, %scan3A_28 : i32
      %add3A_31 = arith.constant 1 : i32
      %add3A_32 = arith.addi %mul3A_30, %add3A_31 : i32
      %dma_start3A_33 = arith.constant 0 : i32
      %dma_start3A_34 = tpu.memref_slice %arg6[%add3A_32, %dma_start3A_33] : memref<125x80xi32, #tpu.memory_space<vmem>> -> memref<1x80xi32, #tpu.memory_space<vmem>>
      %dma_start3A_35 = tpu.memref_squeeze %dma_start3A_34 : memref<1x80xi32, #tpu.memory_space<vmem>> -> memref<80xi32, #tpu.memory_space<vmem>>
      %dma_start3A_36 = arith.constant 0 : i32
      %dma_start3A_37 = arith.constant 0 : i32
      %dma_start3A_38 = tpu.memref_slice %arg11[%dma_start3A_36, %dma_start3A_37] : memref<10000x16xf32, #tpu.memory_space<vmem_shared>> -> memref<10000x16xf32, #tpu.memory_space<vmem_shared>>
      tpu.enqueue_indirect_dma source(%dma_start3A_38 : memref<10000x16xf32, #tpu.memory_space<vmem_shared>>) target(%arg9 : memref<80x16xf32, #tpu.memory_space<vmem>>) offsets(%dma_start3A_35 : memref<80xi32, #tpu.memory_space<vmem>>) semaphore(%arg13 : memref<!tpu.dma_semaphore, #tpu.memory_space<semaphore_mem>>)
      %dma_wait3A_39 = arith.constant 0 : i32
      %dma_wait3A_40 = tpu.memref_slice %arg6[%mul3A_30, %dma_wait3A_39] : memref<125x80xi32, #tpu.memory_space<vmem>> -> memref<1x80xi32, #tpu.memory_space<vmem>>
      %dma_wait3A_41 = tpu.memref_squeeze %dma_wait3A_40 : memref<1x80xi32, #tpu.memory_space<vmem>> -> memref<80xi32, #tpu.memory_space<vmem>>
      %dma_wait3A_42 = arith.constant 0 : i32
      %dma_wait3A_43 = arith.constant 0 : i32
      %dma_wait3A_44 = tpu.memref_slice %arg11[%dma_wait3A_42, %dma_wait3A_43] : memref<10000x16xf32, #tpu.memory_space<vmem_shared>> -> memref<10000x16xf32, #tpu.memory_space<vmem_shared>>
      tpu.wait_indirect_dma semaphore(%arg12 : memref<!tpu.dma_semaphore, #tpu.memory_space<semaphore_mem>>) src(%dma_wait3A_44 : memref<10000x16xf32, #tpu.memory_space<vmem_shared>>) dst(%arg8 : memref<80x16xf32, #tpu.memory_space<vmem>>)
      "tpu.region"() ({
        %run_scoped3A_61 = tpu.sem_alloc : memref<!tpu.dma_semaphore, #tpu.memory_space<semaphore_mem>>
        %dma_start3A_62 = arith.constant 0 : i32
        %dma_start3A_63 = tpu.memref_slice %arg7[%mul3A_30, %dma_start3A_62] : memref<125x80xi32, #tpu.memory_space<vmem>> -> memref<1x80xi32, #tpu.memory_space<vmem>>
        %dma_start3A_64 = tpu.memref_squeeze %dma_start3A_63 : memref<1x80xi32, #tpu.memory_space<vmem>> -> memref<80xi32, #tpu.memory_space<vmem>>
        %dma_start3A_65 = arith.constant 0 : i32
        %dma_start3A_66 = arith.constant 0 : i32
        %dma_start3A_67 = tpu.memref_slice %arg10[%dma_start3A_65, %dma_start3A_66] : memref<10000x16xf32, #tpu.memory_space<vmem_shared>> -> memref<10000x16xf32, #tpu.memory_space<vmem_shared>>
        tpu.enqueue_indirect_dma source(%arg8 : memref<80x16xf32, #tpu.memory_space<vmem>>) target(%dma_start3A_67 : memref<10000x16xf32, #tpu.memory_space<vmem_shared>>) offsets(%dma_start3A_64 : memref<80xi32, #tpu.memory_space<vmem>>) semaphore(%run_scoped3A_61 : memref<!tpu.dma_semaphore, #tpu.memory_space<semaphore_mem>>) {add = true}
        %dma_wait3A_68 = arith.constant 0 : i32
        %dma_wait3A_69 = tpu.memref_slice %arg7[%mul3A_30, %dma_wait3A_68] : memref<125x80xi32, #tpu.memory_space<vmem>> -> memref<1x80xi32, #tpu.memory_space<vmem>>
        %dma_wait3A_70 = tpu.memref_squeeze %dma_wait3A_69 : memref<1x80xi32, #tpu.memory_space<vmem>> -> memref<80xi32, #tpu.memory_space<vmem>>
        %dma_wait3A_71 = arith.constant 0 : i32
        %dma_wait3A_72 = arith.constant 0 : i32
        %dma_wait3A_73 = tpu.memref_slice %arg10[%dma_wait3A_71, %dma_wait3A_72] : memref<10000x16xf32, #tpu.memory_space<vmem_shared>> -> memref<10000x16xf32, #tpu.memory_space<vmem_shared>>
        tpu.wait_indirect_dma semaphore(%run_scoped3A_61 : memref<!tpu.dma_semaphore, #tpu.memory_space<semaphore_mem>>) src(%arg8 : memref<80x16xf32, #tpu.memory_space<vmem>>) dst(%dma_wait3A_73 : memref<10000x16xf32, #tpu.memory_space<vmem_shared>>)
        tpu.yield
      }) : () -> ()
      %add3A_45 = arith.constant 2 : i32
      %add3A_46 = arith.addi %mul3A_30, %add3A_45 : i32
      %dma_start3A_47 = arith.constant 0 : i32
      %dma_start3A_48 = tpu.memref_slice %arg6[%add3A_46, %dma_start3A_47] : memref<125x80xi32, #tpu.memory_space<vmem>> -> memref<1x80xi32, #tpu.memory_space<vmem>>
      %dma_start3A_49 = tpu.memref_squeeze %dma_start3A_48 : memref<1x80xi32, #tpu.memory_space<vmem>> -> memref<80xi32, #tpu.memory_space<vmem>>
      %dma_start3A_50 = arith.constant 0 : i32
      %dma_start3A_51 = arith.constant 0 : i32
      %dma_start3A_52 = tpu.memref_slice %arg11[%dma_start3A_50, %dma_start3A_51] : memref<10000x16xf32, #tpu.memory_space<vmem_shared>> -> memref<10000x16xf32, #tpu.memory_space<vmem_shared>>
      tpu.enqueue_indirect_dma source(%dma_start3A_52 : memref<10000x16xf32, #tpu.memory_space<vmem_shared>>) target(%arg8 : memref<80x16xf32, #tpu.memory_space<vmem>>) offsets(%dma_start3A_49 : memref<80xi32, #tpu.memory_space<vmem>>) semaphore(%arg12 : memref<!tpu.dma_semaphore, #tpu.memory_space<semaphore_mem>>)
      %add3A_53 = arith.constant 1 : i32
      %add3A_54 = arith.addi %mul3A_30, %add3A_53 : i32
      %dma_wait3A_55 = arith.constant 0 : i32
      %dma_wait3A_56 = tpu.memref_slice %arg6[%add3A_54, %dma_wait3A_55] : memref<125x80xi32, #tpu.memory_space<vmem>> -> memref<1x80xi32, #tpu.memory_space<vmem>>
      %dma_wait3A_57 = tpu.memref_squeeze %dma_wait3A_56 : memref<1x80xi32, #tpu.memory_space<vmem>> -> memref<80xi32, #tpu.memory_space<vmem>>
      %dma_wait3A_58 = arith.constant 0 : i32
      %dma_wait3A_59 = arith.constant 0 : i32
      %dma_wait3A_60 = tpu.memref_slice %arg11[%dma_wait3A_58, %dma_wait3A_59] : memref<10000x16xf32, #tpu.memory_space<vmem_shared>> -> memref<10000x16xf32, #tpu.memory_space<vmem_shared>>
      tpu.wait_indirect_dma semaphore(%arg13 : memref<!tpu.dma_semaphore, #tpu.memory_space<semaphore_mem>>) src(%dma_wait3A_60 : memref<10000x16xf32, #tpu.memory_space<vmem_shared>>) dst(%arg9 : memref<80x16xf32, #tpu.memory_space<vmem>>)
      "tpu.region"() ({
        %run_scoped3A_61 = tpu.sem_alloc : memref<!tpu.dma_semaphore, #tpu.memory_space<semaphore_mem>>
        %dma_start3A_62 = arith.constant 0 : i32
        %dma_start3A_63 = tpu.memref_slice %arg7[%add3A_54, %dma_start3A_62] : memref<125x80xi32, #tpu.memory_space<vmem>> -> memref<1x80xi32, #tpu.memory_space<vmem>>
        %dma_start3A_64 = tpu.memref_squeeze %dma_start3A_63 : memref<1x80xi32, #tpu.memory_space<vmem>> -> memref<80xi32, #tpu.memory_space<vmem>>
        %dma_start3A_65 = arith.constant 0 : i32
        %dma_start3A_66 = arith.constant 0 : i32
        %dma_start3A_67 = tpu.memref_slice %arg10[%dma_start3A_65, %dma_start3A_66] : memref<10000x16xf32, #tpu.memory_space<vmem_shared>> -> memref<10000x16xf32, #tpu.memory_space<vmem_shared>>
        tpu.enqueue_indirect_dma source(%arg9 : memref<80x16xf32, #tpu.memory_space<vmem>>) target(%dma_start3A_67 : memref<10000x16xf32, #tpu.memory_space<vmem_shared>>) offsets(%dma_start3A_64 : memref<80xi32, #tpu.memory_space<vmem>>) semaphore(%run_scoped3A_61 : memref<!tpu.dma_semaphore, #tpu.memory_space<semaphore_mem>>) {add = true}
        %dma_wait3A_68 = arith.constant 0 : i32
        %dma_wait3A_69 = tpu.memref_slice %arg7[%add3A_54, %dma_wait3A_68] : memref<125x80xi32, #tpu.memory_space<vmem>> -> memref<1x80xi32, #tpu.memory_space<vmem>>
        %dma_wait3A_70 = tpu.memref_squeeze %dma_wait3A_69 : memref<1x80xi32, #tpu.memory_space<vmem>> -> memref<80xi32, #tpu.memory_space<vmem>>
        %dma_wait3A_71 = arith.constant 0 : i32
        %dma_wait3A_72 = arith.constant 0 : i32
        %dma_wait3A_73 = tpu.memref_slice %arg10[%dma_wait3A_71, %dma_wait3A_72] : memref<10000x16xf32, #tpu.memory_space<vmem_shared>> -> memref<10000x16xf32, #tpu.memory_space<vmem_shared>>
        tpu.wait_indirect_dma semaphore(%run_scoped3A_61 : memref<!tpu.dma_semaphore, #tpu.memory_space<semaphore_mem>>) src(%arg9 : memref<80x16xf32, #tpu.memory_space<vmem>>) dst(%dma_wait3A_73 : memref<10000x16xf32, #tpu.memory_space<vmem_shared>>)
        tpu.yield
      }) : () -> ()
    }
    %scan3A_14 = arith.constant 62 : i32
    %dma_wait3A = arith.constant 124 : i32
    %dma_wait3A_15 = arith.constant 0 : i32
    %dma_wait3A_16 = tpu.memref_slice %arg6[%dma_wait3A, %dma_wait3A_15] : memref<125x80xi32, #tpu.memory_space<vmem>> -> memref<1x80xi32, #tpu.memory_space<vmem>>
    %dma_wait3A_17 = tpu.memref_squeeze %dma_wait3A_16 : memref<1x80xi32, #tpu.memory_space<vmem>> -> memref<80xi32, #tpu.memory_space<vmem>>
    %dma_wait3A_18 = arith.constant 0 : i32
    %dma_wait3A_19 = arith.constant 0 : i32
    %dma_wait3A_20 = tpu.memref_slice %arg11[%dma_wait3A_18, %dma_wait3A_19] : memref<10000x16xf32, #tpu.memory_space<vmem_shared>> -> memref<10000x16xf32, #tpu.memory_space<vmem_shared>>
    tpu.wait_indirect_dma semaphore(%arg12 : memref<!tpu.dma_semaphore, #tpu.memory_space<semaphore_mem>>) src(%dma_wait3A_20 : memref<10000x16xf32, #tpu.memory_space<vmem_shared>>) dst(%arg8 : memref<80x16xf32, #tpu.memory_space<vmem>>)
    %run_scoped3A_21 = arith.constant 124 : i32
    "tpu.region"() ({
      %run_scoped3A_28 = tpu.sem_alloc : memref<!tpu.dma_semaphore, #tpu.memory_space<semaphore_mem>>
      %dma_start3A_29 = arith.constant 0 : i32
      %dma_start3A_30 = tpu.memref_slice %arg7[%run_scoped3A_21, %dma_start3A_29] : memref<125x80xi32, #tpu.memory_space<vmem>> -> memref<1x80xi32, #tpu.memory_space<vmem>>
      %dma_start3A_31 = tpu.memref_squeeze %dma_start3A_30 : memref<1x80xi32, #tpu.memory_space<vmem>> -> memref<80xi32, #tpu.memory_space<vmem>>
      %dma_start3A_32 = arith.constant 0 : i32
      %dma_start3A_33 = arith.constant 0 : i32
      %dma_start3A_34 = tpu.memref_slice %arg10[%dma_start3A_32, %dma_start3A_33] : memref<10000x16xf32, #tpu.memory_space<vmem_shared>> -> memref<10000x16xf32, #tpu.memory_space<vmem_shared>>
      tpu.enqueue_indirect_dma source(%arg8 : memref<80x16xf32, #tpu.memory_space<vmem>>) target(%dma_start3A_34 : memref<10000x16xf32, #tpu.memory_space<vmem_shared>>) offsets(%dma_start3A_31 : memref<80xi32, #tpu.memory_space<vmem>>) semaphore(%run_scoped3A_28 : memref<!tpu.dma_semaphore, #tpu.memory_space<semaphore_mem>>) {add = true}
      %dma_wait3A_35 = arith.constant 0 : i32
      %dma_wait3A_36 = tpu.memref_slice %arg7[%run_scoped3A_21, %dma_wait3A_35] : memref<125x80xi32, #tpu.memory_space<vmem>> -> memref<1x80xi32, #tpu.memory_space<vmem>>
      %dma_wait3A_37 = tpu.memref_squeeze %dma_wait3A_36 : memref<1x80xi32, #tpu.memory_space<vmem>> -> memref<80xi32, #tpu.memory_space<vmem>>
      %dma_wait3A_38 = arith.constant 0 : i32
      %dma_wait3A_39 = arith.constant 0 : i32
      %dma_wait3A_40 = tpu.memref_slice %arg10[%dma_wait3A_38, %dma_wait3A_39] : memref<10000x16xf32, #tpu.memory_space<vmem_shared>> -> memref<10000x16xf32, #tpu.memory_space<vmem_shared>>
      tpu.wait_indirect_dma semaphore(%run_scoped3A_28 : memref<!tpu.dma_semaphore, #tpu.memory_space<semaphore_mem>>) src(%arg8 : memref<80x16xf32, #tpu.memory_space<vmem>>) dst(%dma_wait3A_40 : memref<10000x16xf32, #tpu.memory_space<vmem_shared>>)
      tpu.yield
    }) : () -> ()
    %barrier3A_22 = arith.constant 0 : index
    tpu.barrier barrier_id(%barrier3A_22)
    %lt3A_23 = arith.constant 10 : i32
    %lt3A_24 = arith.cmpi slt, %arg1, %lt3A_23 : i32
    %convert_element_type3A_25 = arith.extui %lt3A_24 : i1 to i32
    %cond3A_26 = arith.constant 0 : i32
    %cond3A_27 = arith.cmpi ne, %convert_element_type3A_25, %cond3A_26 : i32
    scf.if %cond3A_27 {
      %mul3A_28 = arith.constant 1000 : i32
      %mul3A_29 = arith.muli %arg1, %mul3A_28 : i32
      "tpu.region"() ({
        %run_scoped3A_30 = tpu.sem_alloc : memref<!tpu.dma_semaphore, #tpu.memory_space<semaphore_mem>>
        %dma_start3A_31 = arith.constant 0 : i32
        %dma_start3A_32 = tpu.memref_slice %arg5[%arg0, %mul3A_29, %dma_start3A_31] : memref<2x10000x16xf32, #tpu.memory_space<hbm>> -> memref<1x1000x16xf32, #tpu.memory_space<hbm>>
        %dma_start3A_33 = tpu.memref_squeeze %dma_start3A_32 : memref<1x1000x16xf32, #tpu.memory_space<hbm>> -> memref<1000x16xf32, #tpu.memory_space<hbm>>
        %dma_start3A_34 = arith.constant 0 : i32
        %dma_start3A_35 = tpu.memref_slice %arg10[%mul3A_29, %dma_start3A_34] : memref<10000x16xf32, #tpu.memory_space<vmem_shared>> -> memref<1000x16xf32, #tpu.memory_space<vmem_shared>>
        tpu.enqueue_dma source(%dma_start3A_35 : memref<1000x16xf32, #tpu.memory_space<vmem_shared>>) target(%dma_start3A_33 : memref<1000x16xf32, #tpu.memory_space<hbm>>) target_semaphore(%run_scoped3A_30 : memref<!tpu.dma_semaphore, #tpu.memory_space<semaphore_mem>>)
        %dma_wait3A_36 = arith.constant 0 : i32
        %dma_wait3A_37 = tpu.memref_slice %arg5[%arg0, %mul3A_29, %dma_wait3A_36] : memref<2x10000x16xf32, #tpu.memory_space<hbm>> -> memref<1x1000x16xf32, #tpu.memory_space<hbm>>
        %dma_wait3A_38 = tpu.memref_squeeze %dma_wait3A_37 : memref<1x1000x16xf32, #tpu.memory_space<hbm>> -> memref<1000x16xf32, #tpu.memory_space<hbm>>
        %dma_wait3A_39 = arith.constant 0 : i32
        %dma_wait3A_40 = tpu.memref_slice %arg10[%mul3A_29, %dma_wait3A_39] : memref<10000x16xf32, #tpu.memory_space<vmem_shared>> -> memref<1000x16xf32, #tpu.memory_space<vmem_shared>>
        tpu.wait_dma2 semaphore(%run_scoped3A_30 : memref<!tpu.dma_semaphore, #tpu.memory_space<semaphore_mem>>) src(%dma_wait3A_40 : memref<1000x16xf32, #tpu.memory_space<vmem_shared>>) dst(%dma_wait3A_38 : memref<1000x16xf32, #tpu.memory_space<hbm>>)
        tpu.yield
      }) : () -> ()
    } else {
    }
    return
  }
}

module attributes {stable_mosaic.version = 14 : i64} {
  func.func @_tc1a_body(%arg0: i32, %arg1: memref<2000x128xf32, #tpu.memory_space<vmem>>, %arg2: memref<128x128xf32, #tpu.memory_space<vmem>>, %arg3: memref<2000x128xf32, #tpu.memory_space<vmem>>) attributes {dimension_semantics = [#tpu.dimension_semantics<arbitrary>], iteration_bounds = array<i64: 5>, scalar_prefetch = 0 : i64, scratch_operands = 0 : i64, tpu.core_type = #tpu.core_type<tc>, window_params = [{transform_indices = @transform_0, window_bounds = array<i64: 2000, 128>}, {pipeline_mode = #tpu.pipeline_mode<synchronous>, transform_indices = @transform_1, window_bounds = array<i64: 128, 128>}, {transform_indices = @transform_2, window_bounds = array<i64: 2000, 128>}]} {
    %get3A = arith.constant 0 : index
    %get3A_0 = arith.constant 0 : index
    %get3A_1 = vector.load %arg1[%get3A, %get3A_0] : memref<2000x128xf32, #tpu.memory_space<vmem>>, vector<2000x128xf32>
    %get3A_2 = arith.constant 0 : index
    %get3A_3 = arith.constant 0 : index
    %get3A_4 = vector.load %arg2[%get3A_2, %get3A_3] : memref<128x128xf32, #tpu.memory_space<vmem>>, vector<128x128xf32>
    %dot_general3A = arith.constant dense<0.000000e+00> : vector<2000x128xf32>
    %dot_general3A_5 = tpu.matmul %get3A_1, %get3A_4, %dot_general3A {dimension_numbers = #tpu.dot_dimension_numbers<[1], [0], [0], [1], [0, 0, 1, 1], [], []>, precision = #tpu.contract_precision<fp32>, transpose_lhs_hint = false} : vector<2000x128xf32>, vector<128x128xf32>, vector<2000x128xf32> -> vector<2000x128xf32>
    %swap3A = arith.constant 0 : index
    %swap3A_6 = arith.constant 0 : index
    %swap3A_7 = vector.load %arg3[%swap3A, %swap3A_6] : memref<2000x128xf32, #tpu.memory_space<vmem>>, vector<2000x128xf32>
    tpu.vector_store %arg3[%swap3A, %swap3A_6], %dot_general3A_5 {strides = array<i32>} : memref<2000x128xf32, #tpu.memory_space<vmem>>, vector<2000x128xf32>,
    return
  }
  func.func @transform_0(%arg0: i32) -> (i32, i32) {
    %c0_i32 = arith.constant 0 : i32
    %c0_i32_0 = arith.constant 0 : i32
    return %arg0, %c0_i32 : i32, i32
  }
  func.func @transform_1(%arg0: i32) -> (i32, i32) {
    %c0_i32 = arith.constant 0 : i32
    %c0_i32_0 = arith.constant 0 : i32
    %c0_i32_1 = arith.constant 0 : i32
    return %c0_i32, %c0_i32_0 : i32, i32
  }
  func.func @transform_2(%arg0: i32) -> (i32, i32) {
    %c0_i32 = arith.constant 0 : i32
    %c0_i32_0 = arith.constant 0 : i32
    return %arg0, %c0_i32 : i32, i32
  }
}

module attributes {stable_mosaic.version = 14 : i64} {
  func.func @_tc1b_body(%arg0: i32, %arg1: memref<2000x128xf32, #tpu.memory_space<vmem>>, %arg2: memref<1x2000x16xf32, #tpu.memory_space<vmem>>, %arg3: memref<1x2000x16xf32, #tpu.memory_space<vmem>>, %arg4: memref<2000x128xf32, #tpu.memory_space<vmem>>, %arg5: memref<2000x1xf32, #tpu.memory_space<vmem>>) attributes {dimension_semantics = [#tpu.dimension_semantics<arbitrary>], iteration_bounds = array<i64: 5>, scalar_prefetch = 0 : i64, scratch_operands = 0 : i64, tpu.core_type = #tpu.core_type<tc>, window_params = [{transform_indices = @transform_0, window_bounds = array<i64: 2000, 128>}, {transform_indices = @transform_1, window_bounds = array<i64: 1, 2000, 16>}, {transform_indices = @transform_2, window_bounds = array<i64: 1, 2000, 16>}, {transform_indices = @transform_3, window_bounds = array<i64: 2000, 128>}, {transform_indices = @transform_4, window_bounds = array<i64: 2000, 1>}]} {
    %get3A = arith.constant 0 : index
    %get3A_0 = arith.constant 0 : index
    %get3A_1 = arith.constant 0 : index
    %get3A_2 = vector.load %arg2[%get3A, %get3A_0, %get3A_1] : memref<1x2000x16xf32, #tpu.memory_space<vmem>>, vector<1x2000x1xf32>
    %get3A_3 = vector.shape_cast %get3A_2 : vector<1x2000x1xf32> to vector<2000x1xf32>
    %get3A_4 = arith.constant 0 : index
    %get3A_5 = arith.constant 0 : index
    %get3A_6 = arith.constant 0 : index
    %get3A_7 = vector.load %arg3[%get3A_4, %get3A_5, %get3A_6] : memref<1x2000x16xf32, #tpu.memory_space<vmem>>, vector<1x2000x1xf32>
    %get3A_8 = vector.shape_cast %get3A_7 : vector<1x2000x1xf32> to vector<2000x1xf32>
    %add3A = arith.addf %get3A_3, %get3A_8 : vector<2000x1xf32>
    %add3A_9 = arith.constant 1.000000e+00 : f32
    %add3A_10 = vector.broadcast %add3A_9 : f32 to vector<2000x1xf32>
    %add3A_11 = arith.addf %add3A, %add3A_10 : vector<2000x1xf32>
    %rsqrt3A = math.rsqrt %add3A_11 : vector<2000x1xf32>
    %get3A_12 = arith.constant 0 : index
    %get3A_13 = arith.constant 0 : index
    %get3A_14 = vector.load %arg1[%get3A_12, %get3A_13] : memref<2000x128xf32, #tpu.memory_space<vmem>>, vector<2000x128xf32>
    %mul3A = vector.broadcast %rsqrt3A : vector<2000x1xf32> to vector<2000x128xf32>
    %mul3A_15 = arith.mulf %get3A_14, %mul3A : vector<2000x128xf32>
    %swap3A = arith.constant 0 : index
    %swap3A_16 = arith.constant 0 : index
    %swap3A_17 = vector.load %arg4[%swap3A, %swap3A_16] : memref<2000x128xf32, #tpu.memory_space<vmem>>, vector<2000x128xf32>
    tpu.vector_store %arg4[%swap3A, %swap3A_16], %mul3A_15 {strides = array<i32>} : memref<2000x128xf32, #tpu.memory_space<vmem>>, vector<2000x128xf32>,
    %swap3A_18 = arith.constant 0 : index
    %swap3A_19 = arith.constant 0 : index
    %swap3A_20 = vector.load %arg5[%swap3A_18, %swap3A_19] : memref<2000x1xf32, #tpu.memory_space<vmem>>, vector<2000x1xf32>
    tpu.vector_store %arg5[%swap3A_18, %swap3A_19], %rsqrt3A {strides = array<i32>} : memref<2000x1xf32, #tpu.memory_space<vmem>>, vector<2000x1xf32>,
    return
  }
  func.func @transform_0(%arg0: i32) -> (i32, i32) {
    %c0_i32 = arith.constant 0 : i32
    %c0_i32_0 = arith.constant 0 : i32
    return %arg0, %c0_i32 : i32, i32
  }
  func.func @transform_1(%arg0: i32) -> (i32, i32, i32) {
    %c0_i32 = arith.constant 0 : i32
    %c0_i32_0 = arith.constant 0 : i32
    %c0_i32_1 = arith.constant 0 : i32
    return %c0_i32, %arg0, %c0_i32_0 : i32, i32, i32
  }
  func.func @transform_2(%arg0: i32) -> (i32, i32, i32) {
    %c1_i32 = arith.constant 1 : i32
    %c0_i32 = arith.constant 0 : i32
    %c0_i32_0 = arith.constant 0 : i32
    return %c1_i32, %arg0, %c0_i32 : i32, i32, i32
  }
  func.func @transform_3(%arg0: i32) -> (i32, i32) {
    %c0_i32 = arith.constant 0 : i32
    %c0_i32_0 = arith.constant 0 : i32
    return %arg0, %c0_i32 : i32, i32
  }
  func.func @transform_4(%arg0: i32) -> (i32, i32) {
    %c0_i32 = arith.constant 0 : i32
    %c0_i32_0 = arith.constant 0 : i32
    return %arg0, %c0_i32 : i32, i32
  }
}

module attributes {stable_mosaic.version = 14 : i64} {
  func.func @_tc2_body(%arg0: i32, %arg1: memref<1x2000x128xf32, #tpu.memory_space<vmem>>, %arg2: memref<1x2000x128xf32, #tpu.memory_space<vmem>>, %arg3: memref<2000x128xf32, #tpu.memory_space<vmem>>, %arg4: memref<2000x1xf32, #tpu.memory_space<vmem>>, %arg5: memref<1x128xf32, #tpu.memory_space<vmem>>, %arg6: memref<128x16xf32, #tpu.memory_space<vmem>>, %arg7: memref<2000x16xf32, #tpu.memory_space<vmem>>) attributes {dimension_semantics = [#tpu.dimension_semantics<arbitrary>], iteration_bounds = array<i64: 5>, scalar_prefetch = 0 : i64, scratch_operands = 0 : i64, tpu.core_type = #tpu.core_type<tc>, window_params = [{transform_indices = @transform_0, window_bounds = array<i64: 1, 2000, 128>}, {transform_indices = @transform_1, window_bounds = array<i64: 1, 2000, 128>}, {transform_indices = @transform_2, window_bounds = array<i64: 2000, 128>}, {transform_indices = @transform_3, window_bounds = array<i64: 2000, 1>}, {pipeline_mode = #tpu.pipeline_mode<synchronous>, transform_indices = @transform_4, window_bounds = array<i64: 1, 128>}, {pipeline_mode = #tpu.pipeline_mode<synchronous>, transform_indices = @transform_5, window_bounds = array<i64: 128, 16>}, {transform_indices = @transform_6, window_bounds = array<i64: 2000, 16>}]} {
    %get3A = arith.constant 0 : index
    %get3A_0 = arith.constant 0 : index
    %get3A_1 = vector.load %arg4[%get3A, %get3A_0] : memref<2000x1xf32, #tpu.memory_space<vmem>>, vector<2000x1xf32>
    %get3A_2 = arith.constant 0 : index
    %get3A_3 = arith.constant 0 : index
    %get3A_4 = arith.constant 0 : index
    %get3A_5 = vector.load %arg1[%get3A_2, %get3A_3, %get3A_4] : memref<1x2000x128xf32, #tpu.memory_space<vmem>>, vector<1x2000x128xf32>
    %get3A_6 = vector.shape_cast %get3A_5 : vector<1x2000x128xf32> to vector<2000x128xf32>
    %get3A_7 = arith.constant 0 : index
    %get3A_8 = arith.constant 0 : index
    %get3A_9 = arith.constant 0 : index
    %get3A_10 = vector.load %arg2[%get3A_7, %get3A_8, %get3A_9] : memref<1x2000x128xf32, #tpu.memory_space<vmem>>, vector<1x2000x128xf32>
    %get3A_11 = vector.shape_cast %get3A_10 : vector<1x2000x128xf32> to vector<2000x128xf32>
    %add3A = arith.addf %get3A_6, %get3A_11 : vector<2000x128xf32>
    %get3A_12 = arith.constant 0 : index
    %get3A_13 = arith.constant 0 : index
    %get3A_14 = vector.load %arg3[%get3A_12, %get3A_13] : memref<2000x128xf32, #tpu.memory_space<vmem>>, vector<2000x128xf32>
    %add3A_15 = arith.addf %add3A, %get3A_14 : vector<2000x128xf32>
    %mul3A = vector.broadcast %get3A_1 : vector<2000x1xf32> to vector<2000x128xf32>
    %mul3A_16 = arith.mulf %add3A_15, %mul3A : vector<2000x128xf32>
    %get3A_17 = arith.constant 0 : index
    %get3A_18 = arith.constant 0 : index
    %get3A_19 = vector.load %arg5[%get3A_17, %get3A_18] : memref<1x128xf32, #tpu.memory_space<vmem>>, vector<1x128xf32>
    %add3A_20 = vector.broadcast %get3A_19 : vector<1x128xf32> to vector<2000x128xf32>
    %add3A_21 = arith.addf %mul3A_16, %add3A_20 : vector<2000x128xf32>
    %max3A = arith.constant 0.000000e+00 : f32
    %max3A_22 = vector.broadcast %max3A : f32 to vector<2000x128xf32>
    %max3A_23 = arith.maximumf %add3A_21, %max3A_22 : vector<2000x128xf32>
    %get3A_24 = arith.constant 0 : index
    %get3A_25 = arith.constant 0 : index
    %get3A_26 = vector.load %arg6[%get3A_24, %get3A_25] : memref<128x16xf32, #tpu.memory_space<vmem>>, vector<128x16xf32>
    %dot_general3A = arith.constant dense<0.000000e+00> : vector<2000x16xf32>
    %dot_general3A_27 = tpu.matmul %max3A_23, %get3A_26, %dot_general3A {dimension_numbers = #tpu.dot_dimension_numbers<[1], [0], [0], [1], [0, 0, 1, 1], [], []>, precision = #tpu.contract_precision<fp32>, transpose_lhs_hint = false} : vector<2000x128xf32>, vector<128x16xf32>, vector<2000x16xf32> -> vector<2000x16xf32>
    %mul3A_28 = vector.broadcast %get3A_1 : vector<2000x1xf32> to vector<2000x16xf32>
    %mul3A_29 = arith.mulf %dot_general3A_27, %mul3A_28 : vector<2000x16xf32>
    %swap3A = arith.constant 0 : index
    %swap3A_30 = arith.constant 0 : index
    %swap3A_31 = vector.load %arg7[%swap3A, %swap3A_30] : memref<2000x16xf32, #tpu.memory_space<vmem>>, vector<2000x16xf32>
    tpu.vector_store %arg7[%swap3A, %swap3A_30], %mul3A_29 {strides = array<i32>} : memref<2000x16xf32, #tpu.memory_space<vmem>>, vector<2000x16xf32>,
    return
  }
  func.func @transform_0(%arg0: i32) -> (i32, i32, i32) {
    %c0_i32 = arith.constant 0 : i32
    %c0_i32_0 = arith.constant 0 : i32
    %c0_i32_1 = arith.constant 0 : i32
    return %c0_i32, %arg0, %c0_i32_0 : i32, i32, i32
  }
  func.func @transform_1(%arg0: i32) -> (i32, i32, i32) {
    %c1_i32 = arith.constant 1 : i32
    %c0_i32 = arith.constant 0 : i32
    %c0_i32_0 = arith.constant 0 : i32
    return %c1_i32, %arg0, %c0_i32 : i32, i32, i32
  }
  func.func @transform_2(%arg0: i32) -> (i32, i32) {
    %c0_i32 = arith.constant 0 : i32
    %c0_i32_0 = arith.constant 0 : i32
    return %arg0, %c0_i32 : i32, i32
  }
  func.func @transform_3(%arg0: i32) -> (i32, i32) {
    %c0_i32 = arith.constant 0 : i32
    %c0_i32_0 = arith.constant 0 : i32
    return %arg0, %c0_i32 : i32, i32
  }
  func.func @transform_4(%arg0: i32) -> (i32, i32) {
    %c0_i32 = arith.constant 0 : i32
    %c0_i32_0 = arith.constant 0 : i32
    %c0_i32_1 = arith.constant 0 : i32
    return %c0_i32, %c0_i32_0 : i32, i32
  }
  func.func @transform_5(%arg0: i32) -> (i32, i32) {
    %c0_i32 = arith.constant 0 : i32
    %c0_i32_0 = arith.constant 0 : i32
    %c0_i32_1 = arith.constant 0 : i32
    return %c0_i32, %c0_i32_0 : i32, i32
  }
  func.func @transform_6(%arg0: i32) -> (i32, i32) {
    %c0_i32 = arith.constant 0 : i32
    %c0_i32_0 = arith.constant 0 : i32
    return %arg0, %c0_i32 : i32, i32
  }
}

module attributes {stable_mosaic.version = 14 : i64} {
  func.func @_tc3_body(%arg0: i32, %arg1: memref<1x2000x16xf32, #tpu.memory_space<vmem>>, %arg2: memref<1x2000x16xf32, #tpu.memory_space<vmem>>, %arg3: memref<2000x16xf32, #tpu.memory_space<vmem>>, %arg4: memref<2000x1xf32, #tpu.memory_space<vmem>>, %arg5: memref<1x16xf32, #tpu.memory_space<vmem>>, %arg6: memref<2000x2xf32, #tpu.memory_space<vmem>>) attributes {dimension_semantics = [#tpu.dimension_semantics<arbitrary>], iteration_bounds = array<i64: 5>, scalar_prefetch = 0 : i64, scratch_operands = 0 : i64, tpu.core_type = #tpu.core_type<tc>, window_params = [{transform_indices = @transform_0, window_bounds = array<i64: 1, 2000, 16>}, {transform_indices = @transform_1, window_bounds = array<i64: 1, 2000, 16>}, {transform_indices = @transform_2, window_bounds = array<i64: 2000, 16>}, {transform_indices = @transform_3, window_bounds = array<i64: 2000, 1>}, {pipeline_mode = #tpu.pipeline_mode<synchronous>, transform_indices = @transform_4, window_bounds = array<i64: 1, 16>}, {transform_indices = @transform_5, window_bounds = array<i64: 2000, 2>}]} {
    %get3A = arith.constant 0 : index
    %get3A_0 = arith.constant 0 : index
    %get3A_1 = arith.constant 0 : index
    %get3A_2 = vector.load %arg1[%get3A, %get3A_0, %get3A_1] : memref<1x2000x16xf32, #tpu.memory_space<vmem>>, vector<1x2000x16xf32>
    %get3A_3 = vector.shape_cast %get3A_2 : vector<1x2000x16xf32> to vector<2000x16xf32>
    %get3A_4 = arith.constant 0 : index
    %get3A_5 = arith.constant 0 : index
    %get3A_6 = arith.constant 0 : index
    %get3A_7 = vector.load %arg2[%get3A_4, %get3A_5, %get3A_6] : memref<1x2000x16xf32, #tpu.memory_space<vmem>>, vector<1x2000x16xf32>
    %get3A_8 = vector.shape_cast %get3A_7 : vector<1x2000x16xf32> to vector<2000x16xf32>
    %add3A = arith.addf %get3A_3, %get3A_8 : vector<2000x16xf32>
    %get3A_9 = arith.constant 0 : index
    %get3A_10 = arith.constant 0 : index
    %get3A_11 = vector.load %arg3[%get3A_9, %get3A_10] : memref<2000x16xf32, #tpu.memory_space<vmem>>, vector<2000x16xf32>
    %add3A_12 = arith.addf %add3A, %get3A_11 : vector<2000x16xf32>
    %get3A_13 = arith.constant 0 : index
    %get3A_14 = arith.constant 0 : index
    %get3A_15 = vector.load %arg4[%get3A_13, %get3A_14] : memref<2000x1xf32, #tpu.memory_space<vmem>>, vector<2000x1xf32>
    %mul3A = vector.broadcast %get3A_15 : vector<2000x1xf32> to vector<2000x16xf32>
    %mul3A_16 = arith.mulf %add3A_12, %mul3A : vector<2000x16xf32>
    %get3A_17 = arith.constant 0 : index
    %get3A_18 = arith.constant 0 : index
    %get3A_19 = vector.load %arg5[%get3A_17, %get3A_18] : memref<1x16xf32, #tpu.memory_space<vmem>>, vector<1x16xf32>
    %add3A_20 = vector.broadcast %get3A_19 : vector<1x16xf32> to vector<2000x16xf32>
    %add3A_21 = arith.addf %mul3A_16, %add3A_20 : vector<2000x16xf32>
    %slice3A = vector.extract_strided_slice %add3A_21 {offsets = [0, 0], sizes = [2000, 2], strides = [1, 1]} : vector<2000x16xf32> to vector<2000x2xf32>
    %swap3A = arith.constant 0 : index
    %swap3A_22 = arith.constant 0 : index
    %swap3A_23 = vector.load %arg6[%swap3A, %swap3A_22] : memref<2000x2xf32, #tpu.memory_space<vmem>>, vector<2000x2xf32>
    tpu.vector_store %arg6[%swap3A, %swap3A_22], %slice3A {strides = array<i32>} : memref<2000x2xf32, #tpu.memory_space<vmem>>, vector<2000x2xf32>,
    return
  }
  func.func @transform_0(%arg0: i32) -> (i32, i32, i32) {
    %c0_i32 = arith.constant 0 : i32
    %c0_i32_0 = arith.constant 0 : i32
    %c0_i32_1 = arith.constant 0 : i32
    return %c0_i32, %arg0, %c0_i32_0 : i32, i32, i32
  }
  func.func @transform_1(%arg0: i32) -> (i32, i32, i32) {
    %c1_i32 = arith.constant 1 : i32
    %c0_i32 = arith.constant 0 : i32
    %c0_i32_0 = arith.constant 0 : i32
    return %c1_i32, %arg0, %c0_i32 : i32, i32, i32
  }
  func.func @transform_2(%arg0: i32) -> (i32, i32) {
    %c0_i32 = arith.constant 0 : i32
    %c0_i32_0 = arith.constant 0 : i32
    return %arg0, %c0_i32 : i32, i32
  }
  func.func @transform_3(%arg0: i32) -> (i32, i32) {
    %c0_i32 = arith.constant 0 : i32
    %c0_i32_0 = arith.constant 0 : i32
    return %arg0, %c0_i32 : i32, i32
  }
  func.func @transform_4(%arg0: i32) -> (i32, i32) {
    %c0_i32 = arith.constant 0 : i32
    %c0_i32_0 = arith.constant 0 : i32
    %c0_i32_1 = arith.constant 0 : i32
    return %c0_i32, %c0_i32_0 : i32, i32
  }
  func.func @transform_5(%arg0: i32) -> (i32, i32) {
    %c0_i32 = arith.constant 0 : i32
    %c0_i32_0 = arith.constant 0 : i32
    return %arg0, %c0_i32 : i32, i32
  }
}

</mosaic_0001>

<sc_bundles>
// kernel: kernel.12.cloned.1.call-start
scs
__scs_entry_jumppad:
0x0: {  	(pc) =	sbr.rel $0x88, $3  }
0x1: {  	(tag) =	ssettag $0x0;
	lr =	simm.s32 $0x1  }
0x2: {  	[smem:$0x3F9B] =	sst lr;
	_ =	strace $0xD0000000  }
0x3: {  	_ = 	snop  }
0x4: {  	_ = 	snop  }
0x5: {  	_ = 	snop  }
0x6: {  	_ = 	snop  }
0x7: {  	_ = 	snop  }
__scs_overlays_trampoline_lowered:
0x8: {  	[smem:$0x3FAA] =	sst s0  }
0x9: {  	[smem:$0x3FAB] =	sst s1  }
0xa: {  	[smem:$0x3FAC] =	sst s2  }
0xb: {  	[smem:$0x3FAD] =	sst s3  }
0xc: {  	[smem:$0x3FAE] =	sst s4  }
0xd: {  	[smem:$0x3FAF] =	sst s5  }
0xe: {  	[smem:$0x3FB0] =	sst s6  }
0xf: {  	[smem:$0x3FB1] =	sst s7  }
0x10: {  	[smem:$0x3FB2] =	sst s8  }
0x11: {  	[smem:$0x3FB3] =	sst s9;
	s0 =	simm.s32 @!p0 $0x0  }
0x12: {  	s1 =	sld [smem:$0x3F99];
	s0 =	simm.s32 @p0 $0x1  }
0x13: {  	[smem:$0x3FB4] =	sst s0;
	s0 =	simm.s32 @!p1 $0x0  }
0x14: {  	s2 =	sld [smem:$0x3F98];
	s0 =	simm.s32 @p1 $0x1  }
0x15: {  	[smem:$0x3FB5] =	sst s0;
	s0 =	simm.s32 @!p2 $0x0  }
0x16: {  	s3 =	sld [smem:$0x3FDB];
	s0 =	simm.s32 @p2 $0x1  }
0x17: {  	s4 =	simm.s32 $0x1BF5;
	[smem:$0x3FB7] =	sst s0  }
0x18: {  	s0 =	sld [smem:$0x3F9A];
	_ =	swait.ge [sflag:s4], $0x0  }
0x19: {  	s7 =	sld [smem:$0x3F9B]  }
0x1a: {  	s8 =	sadd.s32 $0xFFFFE003, lr  }
0x1b: {  	s9 =	sadd.s32 $0xFFFFFEF7, lr;
	s5 =	simm.s32 $0xFFFFFFFF;
	p2 =	slt.u32 s8, $0xFFFFF086  }
0x1c: {  	p1 =	slt.u32 s9, $0xF7A;
	s5 =	simm.s32 @!p2 $0x0  }
0x1d: {  	s5 =	simm.s32 @p1 $0x1;
	p0 =	seq.s32 s7, s2  }
0x1e: {  	s7 =	smul.u32 @!p0 $0xF7A, s2;
	p2 =	seq.s32 @!p0 s5, $0x0  }
0x1f: {  	s9 =	smul.u32 $0xF7A, s1;
	s8 =	simm.s32 @!p0 $0x1BF5;
	p2 =	por !p2, p0  }
0x20: {  	[sflag:s8] =	ssyncset.s32 @!p0 $0xFFFFF086;
	s6 =	sadd.s32 @!p0 s3, s7;
	s7 =	simm.s32 @!p0 $0x108  }
0x21: {  	s3 =	sadd.s32 s3, s9;
	s6 =	sadd.s32 @!p0 $0x88, s6;
	s7 =	simm.s32 @p2 $0x1082  }
0x22: {  	[simem:s7], [sflag:s8] =	dma.local @!p0 [hbm:s6], $0xF7A  }
0x23: {  	s9 =	sor.u32 $0xD0000000, s2;
	s6 =	simm.s32 $0x108;
	_ =	swait.ge @!p0 [sflag:s8], $0x0  }
0x24: {  	s3 =	sadd.s32 $0x88, s3;
	s6 =	simm.s32 @!p1 $0x1082;
	[sflag:s4] =	ssyncset.s32 $0xFFFFF086  }
0x25: {  	[simem:s6], [sflag:s4] =	dma.local [hbm:s3], $0xF7A  }
0x26: {  	[smem:$0x3F9B] =	sst s1;
	(tag) =	ssettag s2;
	_ =	strace s9  }
0x27: {  	s1 =	sld [smem:$0x3FAB]  }
0x28: {  	s2 =	sld [smem:$0x3FAC]  }
0x29: {  	s4 =	sld [smem:$0x3FAE]  }
0x2a: {  	p0 =	seq.s32 s5, $0x0;
	s5 =	sld [smem:$0x3FAF]  }
0x2b: {  	s6 =	sld [smem:$0x3FB0]  }
0x2c: {  	s7 =	sld [smem:$0x3FB1]  }
0x2d: {  	s3 =	simm.s32 $0x108;
	s8 =	sld [smem:$0x3FB2]  }
0x2e: {  	s3 =	simm.s32 @!p0 $0x1082;
	s9 =	sld [smem:$0x3FB3]  }
0x2f: {  	lr =	sadd.s32 s0, s3;
	s0 =	sld [smem:$0x3FAA]  }
0x30: {  	s3 =	sld [smem:$0x3FAD]  }
0x31: {  	[smem:$0x3FB6] =	sst s10  }
0x32: {  	s10 =	sld [smem:$0x3FB4];
	_ =	sdelay $0x3  }
0x33: {  	p0 =	seq.s32 s10, $0x1;
	s10 =	sld [smem:$0x3FB6];
	_ =	sdelay $0x3  }
0x34: {  	[smem:$0x3FB6] =	sst s10  }
0x35: {  	s10 =	sld [smem:$0x3FB5];
	_ =	sdelay $0x3  }
0x36: {  	p1 =	seq.s32 s10, $0x1;
	s10 =	sld [smem:$0x3FB6];
	_ =	sdelay $0x3  }
0x37: {  	[smem:$0x3FB6] =	sst s10  }
0x38: {  	s10 =	sld [smem:$0x3FB7]  }
0x39: {  	_ = 	snop;
	(pc) =	sbr.ind lr, $3  }
0x3a: {  	_ = 	snop  }
0x3b: {  	_ = 	snop  }
0x3c: {  	p2 =	seq.s32 s10, $0x1;
	s10 =	sld [smem:$0x3FB6]  }
0x3d: {  	_ =	shalt  }
0x3e: {  	_ =	shalt  }
0x3f: {  	_ =	shalt  }
0x40: {  	_ =	shalt  }
0x41: {  	_ =	shalt  }
0x42: {  	_ =	shalt  }
0x43: {  	_ =	shalt  }
0x44: {  	_ =	shalt  }
0x45: {  	_ =	shalt  }
0x46: {  	_ =	shalt  }
0x47: {  	_ =	shalt  }
0x48: {  	_ =	shalt  }
0x49: {  	_ =	shalt  }
0x4a: {  	_ =	shalt  }
0x4b: {  	_ =	shalt  }
0x4c: {  	_ =	shalt  }
0x4d: {  	_ =	shalt  }
0x4e: {  	_ =	shalt  }
0x4f: {  	_ =	shalt  }
0x50: {  	_ =	shalt  }
0x51: {  	_ =	shalt  }
0x52: {  	_ =	shalt  }
0x53: {  	_ =	shalt  }
0x54: {  	_ =	shalt  }
0x55: {  	_ =	shalt  }
0x56: {  	_ =	shalt  }
0x57: {  	_ =	shalt  }
0x58: {  	_ =	shalt  }
0x59: {  	_ =	shalt  }
0x5a: {  	_ =	shalt  }
0x5b: {  	_ =	shalt  }
0x5c: {  	_ =	shalt  }
0x5d: {  	_ =	shalt  }
0x5e: {  	_ =	shalt  }
0x5f: {  	_ =	shalt  }
0x60: {  	_ =	shalt  }
0x61: {  	_ =	shalt  }
0x62: {  	_ =	shalt  }
0x63: {  	_ =	shalt  }
0x64: {  	_ =	shalt  }
0x65: {  	_ =	shalt  }
0x66: {  	_ =	shalt  }
0x67: {  	_ =	shalt  }
0x68: {  	_ =	shalt  }
0x69: {  	_ =	shalt  }
0x6a: {  	_ =	shalt  }
0x6b: {  	_ =	shalt  }
0x6c: {  	_ =	shalt  }
0x6d: {  	_ =	shalt  }
0x6e: {  	_ =	shalt  }
0x6f: {  	_ =	shalt  }
0x70: {  	_ =	shalt  }
0x71: {  	_ =	shalt  }
0x72: {  	_ =	shalt  }
0x73: {  	_ =	shalt  }
0x74: {  	_ =	shalt  }
0x75: {  	_ =	shalt  }
0x76: {  	_ =	shalt  }
0x77: {  	_ =	shalt  }
0x78: {  	_ =	shalt  }
0x79: {  	_ =	shalt  }
0x7a: {  	_ =	shalt  }
0x7b: {  	_ =	shalt  }
0x7c: {  	_ =	shalt  }
0x7d: {  	_ =	shalt  }
0x7e: {  	_ =	shalt  }
0x7f: {  	_ =	shalt  }
0x80: {  	_ =	shalt  }
0x81: {  	_ =	shalt  }
0x82: {  	_ =	shalt  }
0x83: {  	_ =	shalt  }
0x84: {  	_ =	shalt  }
0x85: {  	_ =	shalt  }
0x86: {  	_ =	shalt  }
0x87: {  	_ =	shalt  }
.Lfunc_end0:
.L_simem_size_0:
called_computation.1_lowered:
.L_overlay_start_0:
0x88: {  	s2 =	sld [smem:$0x3FD9]  }
0x89: {  	s3 =	sld [smem:$0x3FFE];
	_ =	sdelay $0x1  }
0x8a: {  	s1 =	srdreg.scid  }
0x8b: {  	s0 =	sand.u32 $0x1, s1  }
0x8c: {  	s16 =	sshll.u32 s0, $0xA;
	s2 =	sadd.s32 s3, s2  }
0x8d: {  	s2 =	sadd.s32 s2, s16  }
0x8e: {  	[smem:$0x3FC2] =	sst s2  }
0x8f: {  	_ = 	snop  }
0x90: {  	(tm) =	ssettm $0x1  }
0x91: {  	s17 =	sld [smem:$0x3FFB];
	_ =	sdelay $0x3  }
0x92: {  	_ =	strace s17  }
0x93: {  	s2 =	sld [smem:$0x3FFC];
	_ =	sdelay $0x3  }
0x94: {  	_ =	strace s2  }
0x95: {  	s2 =	sld [smem:$0x3FFD];
	_ =	sdelay $0x3  }
0x96: {  	_ =	strace s2  }
0x97: {  	_ =	strace $0x8FFFFFFF  }
0x98: {  	s18 =	sld [smem:$0x3FDB];
	_ =	sdelay $0x1  }
0x99: {  	s19 =	simm.s32 $_scs_section_size  }
0x9a: {  	s4 =	simm.s32 $_size__tile_overlayer_lowered;
	s5 =	simm.s32 $_tile_overlayer_lowered  }
0x9b: {  	s22 =	simm.s32 $0x1BFF;
	s21 =	sshll.u32 s5, $0x1;
	s2 =	sadd.s32 s19, s18  }
0x9c: {  	s6 =	simm.s32 $0x0;
	s20 =	sshll.u32 s4, $0x1;
	s4 =	sadd.s32 s21, s2  }
0x9d: {  	[timem:s6], [sflag:s22] =	dma.local [hbm:s4], s20  }
0x9e: {  	_ =	swait.ge [sflag:s22], s20  }
0x9f: {  	s3 =	ssub.s32 $0x0, s20;
	[sflag:s22] =	ssyncset.done $0x0  }
0xa0: {  	[sflag:s22] =	ssyncadd.s32 s3;
	_ =	sdelay $0x1  }
0xa1: {  	s23 =	simm.s32 $0x1B8B  }
0xa2: {  	_ =	swait.ge [sflag:s23], $0x1  }
0xa3: {  	[sflag:s23] =	ssyncset.done $0x0  }
0xa4: {  	s25 =	simm.s32 $0x1B8E;
	s24 =	sld [smem:$0x3FFE];
	[sflag:s23] =	ssyncadd.s32 $0xFFFFFFFF  }
0xa5: {  	s26 =	simm.s32 $execute0_lowered;
	[smem:$0x3FD2] =	sst s25  }
0xa6: {  	s4 =	sshll.u32 s26, $0x1;
	_ =	strace $0x80000049;
	[dreg:$0x1] =	wrdreg $0xFFFFFFFF  }
0xa7: {  	s28 =	simm.s32 $_size_execute0_lowered;
	s2 =	sadd.s32 s2, s4;
	[dreg:$0x0] =	wrdreg $0x0  }
0xa8: {  	s4 =	sshll.u32 s28, $0x1;
	[dreg:$0x2] =	wrdreg s2  }
0xa9: {  	[dreg:$0x3] =	wrdreg s4  }
0xaa: {  	[dreg:$0x4] =	wrdreg $0xC0  }
0xab: {  	_ =	task [dreg:s6], $0x5FFFF  }
0xac: {  	[dreg:$0x1] =	wrdreg $0xFFFFFFFF  }
0xad: {  	[dreg:$0x0] =	wrdreg $0x60  }
0xae: {  	[dreg:$0x2] =	wrdreg s24  }
0xaf: {  	[dreg:$0x3] =	wrdreg $0x9E200  }
0xb0: {  	[dreg:$0x4] =	wrdreg $0x9  }
0xb1: {  	_ =	task.clear_ibuf [dreg:s6], $0x5FFFF;
	_ =	strace $0x90000049  }
0xb2: {  	s29 =	simm.s32 $0x9;
	_ =	strace $0x8000004B  }
0xb3: {  	_ =	swait.ge [sflag:s29], $0x1  }
0xb4: {  	[sflag:s29] =	ssyncadd.s32 $0xFFFFFFFF  }
0xb5: {  	_ =	strace $0x9000004B  }
0xb6: {  	_ =	sfence  }
0xb7: {  	s30 =	sld [smem:$0x0];
	_ =	sdelay $0x2  }
0xb8: {  	s31 =	sshll.u32 s1, $0xD;
	s1 =	sshrl.u32 s1, $0x2  }
0xb9: {  	s3 =	sand.u32 $0x4000, s31;
	s1 =	sadd.s32 s1, s30  }
0xba: {  	s0 =	sor.u32 s3, s0;
	s1 =	sshll.u32 s1, $0x11  }
0xbb: {  	s0 =	sor.u32 s1, s0  }
0xbc: {  	s0 =	sadd.s32 $0x8F2B, s0  }
0xbd: {  	[sflag:s0] =	ssyncadd.remote.s32 $0x1  }
0xbe: {  	_ =	sfence.sel $0xFFFF  }
0xbf: {  	[dreg:$0x0] =	wrdreg $0xFFFFFFFF;
	(pc) =	sbr.abs _section_cstart, $3  }
0xc0: {  	[dreg:$0x1] =	wrdreg $0xFFFFFFFF  }
0xc1: {  	_ =	task.clear_ibuf [dreg:s6], $0x2FFFF;
	_ =	strace $0x9FFFFFFF  }
0xc2: {  	(tm) =	ssettm $0x7FFFFFFF  }
0xc3: {  	_ =	shalt  }
tec
execute0_lowered:
.L_overlay_start_1:
0x0: {  	(tag) =	ssettag $0x1  }
0x1: {  	s0 =	srdreg.scid;
	s6 =	rddreg [dreg:$0x0]  }
0x2: {  	s2 =	rddreg [dreg:$0x1];
	s3 =	simm.s32 $0x0;
	s13 =	simm.s32 $0x2710  }
0x3: {  	s14 =	simm.s32 $0x50;
	s15 =	simm.s32 $0x4E20;
	s16 =	simm.s32 $0x7620  }
0x4: {  	s17 =	simm.s32 $0x1;
	s18 =	simm.s32 $0x2;
	s19 =	simm.s32 $0x4DD0  }
0x5: {  	s20 =	simm.s32 $0x0;
	s5 =	sand.u32 $0x1, s0;
	s0 =	stileid.u32  }
0x6: {  	[smem:$0x7FF] =	sst s3;
	s1 =	sshll.u32 s5, $0x4;
	s7 =	smul.u32 $0x1F400, s0  }
0x7: {  	s9 =	smul.u32 $0x138800, s5;
	s5 =	ssub.s32 $0x2, s5;
	s1 =	sor.u32 s0, s1  }
0x8: {  	p0 =	sgt.u32 s0, $0x9;
	s11 =	sshrl.u32 s5, $0x1;
	s4 =	smul.u32 $0x2710, s1  }
0x9: {  	s1 =	rddreg [dreg:$0x2];
	_ =	strace $0x8000004A;
	s10 =	sshrl.u32 s7, $0x3  }
0xa: {  	s9 =	sadd.s32 s7, s9;
	s11 =	ssub.s32 s5, s11;
	s12 =	sadd.s32 s7, s2  }
0xb: {  	s10 =	sadd.s32 s10, s6;
	s9 =	sshrl.u32 s9, $0x3;
	s8 =	sshrl.u32 s4, $0x3  }
0xc: {  	s4 =	sadd.s32 $0x1AC00, s6;
	s5 =	sadd.s32 $0x41E00, s10;
	s10 =	sshll.u32 @!p0 s0, $0x6  }
0xd: {  	s9 =	sadd.s32 s9, s6;
	s8 =	sadd.s32 s8, s6;
	s10 =	sor.u32 @!p0 $0x1C03, s10  }
0xe: {  	s6 =	sadd.s32 $0x2200, s8;
	s7 =	sadd.s32 $0xBE40, s8;
	s8 =	sadd.s32 $0x69000, s9  }
0xf: {  	s9 =	smax.u32 s11, $0x1;
	s11 =	sshrl.u32 @!p0 s12, $0x3;
	s12 =	simm.s32 $0x3  }
.LBB2_1:
0x10: {  	[spmem:s11], [sflag:s10] =	dma.local @!p0 [hbm:s5], $0x3E80  }
0x11: {  	s21 =	simm.s32 @!p0 $0x3  }
0x12: {  	_ =	swait.ge @!p0 [sflag:s21], $0x3E80  }
0x13: {  	[sflag:s21] =	ssyncset.done @!p0 $0x0  }
0x14: {  	[sflag:s21] =	ssyncadd.s32 @!p0 $0xFFFFC180  }
0x15: {  	[tilespmem:s3], [sflag:$0x3] =	stream.linear.gather [hbm4b:s6+s3], $0x2710, $0x38;
	[tilespmem:$0x1D6A0] =	vst v63  }
0x16: {  	_ =	swait.ge [sflag:s12], $0x2710  }
0x17: {  	[sflag:s12] =	ssyncset.done $0x0  }
0x18: {  	[sflag:s12] =	ssyncadd.s32 $0xFFFFD8F0  }
0x19: {  	[tilespmem:s13], [sflag:$0x3] =	stream.linear.gather [hbm4b:s7+s3], $0x2710, $0x38;
	[tilespmem:$0x1D6A0] =	vst v63  }
0x1a: {  	_ =	swait.ge [sflag:s12], $0x2710  }
0x1b: {  	[sflag:s12] =	ssyncset.done $0x0  }
0x1c: {  	[sflag:s12] =	ssyncadd.s32 $0xFFFFD8F0  }
0x1d: {  	[bflag:$0x0] =	sbarrier.arrive $0xFFFF  }
0x1e: {  	[tilespmem:s15], [sflag:$0x1] =	stream.indirect.gather [hbm4b:s4+s14], $0x80, s3, s14, $0xb8;
	[tilespmem:$0x1D6A0] =	vst v63  }
0x1f: {  	s28 =	simm.s32 $0x50  }
0x20: {  	[tilespmem:s16], [sflag:$0x2] =	stream.indirect.gather [hbm4b:s4+s14], $0x80, s28, s14, $0xb8;
	[tilespmem:$0x1D6A0] =	vst v63  }
0x21: {  	_ =	swait.ge [sflag:s17], $0x2800  }
0x22: {  	[sflag:s17] =	ssyncset.done $0x0  }
0x23: {  	s29 =	simm.s32 $0x2710;
	[sflag:s17] =	ssyncadd.s32 $0xFFFFD800  }
0x24: {  	[spmem:s2] =	stream.indirect.scatter.add.f32 [tilespmem:s15], [sflag:$0x3], $0x80, s29, s14, $0xb8;
	[tilespmem:$0x1D6A0] =	vst v63  }
0x25: {  	_ =	swait.ge [sflag:s12], $0x2800  }
0x26: {  	[sflag:s12] =	ssyncset.done $0x0  }
0x27: {  	s30 =	simm.s32 $0xA0;
	[sflag:s12] =	ssyncadd.s32 $0xFFFFD800  }
0x28: {  	[tilespmem:s15], [sflag:$0x1] =	stream.indirect.gather [hbm4b:s4+s14], $0x80, s30, s14, $0xb8;
	[tilespmem:$0x1D6A0] =	vst v63  }
0x29: {  	_ =	swait.ge [sflag:s18], $0x2800  }
0x2a: {  	[sflag:s18] =	ssyncset.done $0x0  }
0x2b: {  	s31 =	simm.s32 $0x2760;
	[sflag:s18] =	ssyncadd.s32 $0xFFFFD800  }
0x2c: {  	[spmem:s2] =	stream.indirect.scatter.add.f32 [tilespmem:s16], [sflag:$0x3], $0x80, s31, s14, $0xb8;
	[tilespmem:$0x1D6A0] =	vst v63  }
0x2d: {  	_ =	swait.ge [sflag:s12], $0x2800  }
0x2e: {  	s22 =	simm.s32 $0x500;
	s21 =	simm.s32 $0xA0;
	[sflag:s12] =	ssyncset.done $0x0  }
.LBB2_2:
0x2f: {  	s23 =	sadd.s32 $0x50, s21  }
0x30: {  	[sflag:s12] =	ssyncadd.s32 $0xFFFFD800;
	s24 =	smov.u32 s22;
	s25 =	sadd.s32 $0x280, s22  }
0x31: {  	[tilespmem:s16], [sflag:$0x2] =	stream.indirect.gather [hbm4b:s4+s14], $0x80, s23, s14, $0xb8;
	[tilespmem:$0x1D6A0] =	vst v63  }
0x32: {  	p1 =	sne.s32 s22, $0x9880;
	_ =	swait.ge [sflag:s17], $0x2800  }
0x33: {  	[sflag:s17] =	ssyncset.done $0x0  }
0x34: {  	s22 =	sadd.s32 $0x2710, s21;
	[sflag:s17] =	ssyncadd.s32 $0xFFFFD800  }
0x35: {  	[spmem:s2] =	stream.indirect.scatter.add.f32 [tilespmem:s15], [sflag:$0x3], $0x80, s22, s14, $0xb8;
	[tilespmem:$0x1D6A0] =	vst v63  }
0x36: {  	_ =	swait.ge [sflag:s12], $0x2800  }
0x37: {  	[sflag:s12] =	ssyncset.done $0x0  }
0x38: {  	s22 =	sadd.s32 $0xA0, s21;
	[sflag:s12] =	ssyncadd.s32 $0xFFFFD800  }
0x39: {  	[tilespmem:s15], [sflag:$0x1] =	stream.indirect.gather [hbm4b:s4+s14], $0x80, s22, s14, $0xb8;
	[tilespmem:$0x1D6A0] =	vst v63  }
0x3a: {  	_ =	swait.ge [sflag:s18], $0x2800  }
.Ltmp0:
0x3b: {  	[sflag:s18] =	ssyncset.done $0x0;
	(pc) =	sbr.rel @p1 .LBB2_2-.Ltmp0, $4  }
0x3c: {  	s21 =	sadd.s32 $0x2760, s21;
	[sflag:s18] =	ssyncadd.s32 $0xFFFFD800  }
0x3d: {  	[spmem:s2] =	stream.indirect.scatter.add.f32 [tilespmem:s16], [sflag:$0x3], $0x80, s21, s14, $0xb8;
	[tilespmem:$0x1D6A0] =	vst v63  }
0x3e: {  	_ =	swait.ge [sflag:s12], $0x2800  }
0x3f: {  	s22 =	smov.u32 s25;
	s21 =	sshra.s32 s24, $0x2;
	[sflag:s12] =	ssyncset.done $0x0  }
0x40: {  	s22 =	sadd.s32 $0x50, s21;
	[sflag:s12] =	ssyncadd.s32 $0xFFFFD800  }
0x41: {  	[tilespmem:s16], [sflag:$0x2] =	stream.indirect.gather [hbm4b:s4+s14], $0x80, s22, s14, $0xb8;
	[tilespmem:$0x1D6A0] =	vst v63  }
0x42: {  	_ =	swait.ge [sflag:s17], $0x2800  }
0x43: {  	[sflag:s17] =	ssyncset.done $0x0  }
0x44: {  	s29 =	sadd.s32 $0x2710, s21;
	[sflag:s17] =	ssyncadd.s32 $0xFFFFD800  }
0x45: {  	[spmem:s2] =	stream.indirect.scatter.add.f32 [tilespmem:s15], [sflag:$0x3], $0x80, s29, s14, $0xb8;
	[tilespmem:$0x1D6A0] =	vst v63  }
0x46: {  	_ =	swait.ge [sflag:s12], $0x2800  }
0x47: {  	[sflag:s12] =	ssyncset.done $0x0  }
0x48: {  	s30 =	sadd.s32 $0xA0, s21;
	[sflag:s12] =	ssyncadd.s32 $0xFFFFD800  }
0x49: {  	[tilespmem:s15], [sflag:$0x1] =	stream.indirect.gather [hbm4b:s4+s14], $0x80, s30, s14, $0xb8;
	[tilespmem:$0x1D6A0] =	vst v63  }
0x4a: {  	_ =	swait.ge [sflag:s18], $0x2800  }
0x4b: {  	[sflag:s18] =	ssyncset.done $0x0  }
0x4c: {  	s31 =	sadd.s32 $0x2760, s21;
	[sflag:s18] =	ssyncadd.s32 $0xFFFFD800  }
0x4d: {  	[spmem:s2] =	stream.indirect.scatter.add.f32 [tilespmem:s16], [sflag:$0x3], $0x80, s31, s14, $0xb8;
	[tilespmem:$0x1D6A0] =	vst v63  }
0x4e: {  	_ =	swait.ge [sflag:s12], $0x2800  }
0x4f: {  	[sflag:s12] =	ssyncset.done $0x0  }
0x50: {  	[sflag:s12] =	ssyncadd.s32 $0xFFFFD800  }
0x51: {  	_ =	swait.ge [sflag:s17], $0x2800  }
0x52: {  	[sflag:s17] =	ssyncset.done $0x0  }
0x53: {  	[sflag:s17] =	ssyncadd.s32 $0xFFFFD800  }
0x54: {  	[spmem:s2] =	stream.indirect.scatter.add.f32 [tilespmem:s15], [sflag:$0x3], $0x80, s19, s14, $0xb8;
	[tilespmem:$0x1D6A0] =	vst v63  }
0x55: {  	_ =	swait.ge [sflag:s12], $0x2800  }
0x56: {  	s20 =	sadd.s32 $0x1, s20;
	[sflag:s12] =	ssyncset.done $0x0  }
0x57: {  	p1 =	sne.s32 s20, s9;
	[sflag:s12] =	ssyncadd.s32 $0xFFFFD800  }
.Ltmp1:
0x58: {  	s21 =	simm.s32 @!p0 $0x3;
	[bflag:$0x0] =	sbarrier.arrive $0xFFFF;
	(pc) =	sbr.rel @p1 .LBB2_1-.Ltmp1, $4  }
0x59: {  	[hbm:s8], [sflag:s10] =	dma.local @!p0 [spmem:s11], $0x3E80  }
0x5a: {  	_ =	swait.ge @!p0 [sflag:s21], $0x3E80  }
0x5b: {  	[sflag:s21] =	ssyncset.done @!p0 $0x0  }
0x5c: {  	[sflag:s21] =	ssyncadd.s32 @!p0 $0xFFFFC180  }
0x5d: {  	_ =	sfence.sel $0x180000  }
0x5e: {  	[bflag:$0x0] =	sbarrier.arrive $0xFFFF  }
0x5f: {  	p0 =	sne.s32 s0, $0x0;
	_ =	strace $0x9000004A  }
0x60: {  	s0 =	sadd.s32 @!p0 $0x100000, s1;
	[bflag:$0x2] =	sbarrier.arrive $0xFFFF  }
0x61: {  	[sflag:s0] =	ssyncadd.tile.s32 @!p0 $0x1;
	_ =	shalt  }
.Lfunc_end2:
_tile_overlayer_lowered:
.L_overlay_start_2:
0x62: {  	(tag) =	ssettag $0x2  }
0x63: {  	s0 =	rddreg [dreg:$0x0];
	s2 =	stileid.u32  }
0x64: {  	s1 =	rddreg [dreg:$0x1];
	p0 =	sne.s32 s2, $0x0  }
0x65: {  	s3 =	rddreg [dreg:$0x2];
	[bflag:$0x3] =	sbarrier.arrive $0xFFFF;
	s2 =	simm.s32 @!p0 $0x1C03  }
0x66: {  	[timem:s3], [sflag:s2] =	dma.local @!p0 [hbm:s0], s1  }
0x67: {  	s0 =	simm.s32 @!p0 $0x3  }
0x68: {  	_ =	swait.ge @!p0 [sflag:s0], s1  }
0x69: {  	s1 =	ssub.s32 @!p0 $0x0, s1;
	[sflag:s0] =	ssyncset.done @!p0 $0x0  }
0x6a: {  	[sflag:s0] =	ssyncadd.s32 @!p0 s1  }
0x6b: {  	[bflag:$0x3] =	sbarrier.arrive $0xFFFF  }
0x6c: {  	_ =	shalt  }

// kernel: kernel.15.cloned.1.call-start
scs
__scs_entry_jumppad:
0x0: {  	(pc) =	sbr.rel $0x88, $3  }
0x1: {  	(tag) =	ssettag $0x0;
	lr =	simm.s32 $0x1  }
0x2: {  	[smem:$0x3F9B] =	sst lr;
	_ =	strace $0xD0000000  }
0x3: {  	_ = 	snop  }
0x4: {  	_ = 	snop  }
0x5: {  	_ = 	snop  }
0x6: {  	_ = 	snop  }
0x7: {  	_ = 	snop  }
__scs_overlays_trampoline_lowered:
0x8: {  	[smem:$0x3FAA] =	sst s0  }
0x9: {  	[smem:$0x3FAB] =	sst s1  }
0xa: {  	[smem:$0x3FAC] =	sst s2  }
0xb: {  	[smem:$0x3FAD] =	sst s3  }
0xc: {  	[smem:$0x3FAE] =	sst s4  }
0xd: {  	[smem:$0x3FAF] =	sst s5  }
0xe: {  	[smem:$0x3FB0] =	sst s6  }
0xf: {  	[smem:$0x3FB1] =	sst s7  }
0x10: {  	[smem:$0x3FB2] =	sst s8  }
0x11: {  	[smem:$0x3FB3] =	sst s9;
	s0 =	simm.s32 @!p0 $0x0  }
0x12: {  	s1 =	sld [smem:$0x3F99];
	s0 =	simm.s32 @p0 $0x1  }
0x13: {  	[smem:$0x3FB4] =	sst s0;
	s0 =	simm.s32 @!p1 $0x0  }
0x14: {  	s2 =	sld [smem:$0x3F98];
	s0 =	simm.s32 @p1 $0x1  }
0x15: {  	[smem:$0x3FB5] =	sst s0;
	s0 =	simm.s32 @!p2 $0x0  }
0x16: {  	s3 =	sld [smem:$0x3FDB];
	s0 =	simm.s32 @p2 $0x1  }
0x17: {  	s4 =	simm.s32 $0x1BF5;
	[smem:$0x3FB7] =	sst s0  }
0x18: {  	s0 =	sld [smem:$0x3F9A];
	_ =	swait.ge [sflag:s4], $0x0  }
0x19: {  	s7 =	sld [smem:$0x3F9B]  }
0x1a: {  	s8 =	sadd.s32 $0xFFFFE003, lr  }
0x1b: {  	s9 =	sadd.s32 $0xFFFFFEF7, lr;
	s5 =	simm.s32 $0xFFFFFFFF;
	p2 =	slt.u32 s8, $0xFFFFF086  }
0x1c: {  	p1 =	slt.u32 s9, $0xF7A;
	s5 =	simm.s32 @!p2 $0x0  }
0x1d: {  	s5 =	simm.s32 @p1 $0x1;
	p0 =	seq.s32 s7, s2  }
0x1e: {  	s7 =	smul.u32 @!p0 $0xF7A, s2;
	p2 =	seq.s32 @!p0 s5, $0x0  }
0x1f: {  	s9 =	smul.u32 $0xF7A, s1;
	s8 =	simm.s32 @!p0 $0x1BF5;
	p2 =	por !p2, p0  }
0x20: {  	[sflag:s8] =	ssyncset.s32 @!p0 $0xFFFFF086;
	s6 =	sadd.s32 @!p0 s3, s7;
	s7 =	simm.s32 @!p0 $0x108  }
0x21: {  	s3 =	sadd.s32 s3, s9;
	s6 =	sadd.s32 @!p0 $0x88, s6;
	s7 =	simm.s32 @p2 $0x1082  }
0x22: {  	[simem:s7], [sflag:s8] =	dma.local @!p0 [hbm:s6], $0xF7A  }
0x23: {  	s9 =	sor.u32 $0xD0000000, s2;
	s6 =	simm.s32 $0x108;
	_ =	swait.ge @!p0 [sflag:s8], $0x0  }
0x24: {  	s3 =	sadd.s32 $0x88, s3;
	s6 =	simm.s32 @!p1 $0x1082;
	[sflag:s4] =	ssyncset.s32 $0xFFFFF086  }
0x25: {  	[simem:s6], [sflag:s4] =	dma.local [hbm:s3], $0xF7A  }
0x26: {  	[smem:$0x3F9B] =	sst s1;
	(tag) =	ssettag s2;
	_ =	strace s9  }
0x27: {  	s1 =	sld [smem:$0x3FAB]  }
0x28: {  	s2 =	sld [smem:$0x3FAC]  }
0x29: {  	s4 =	sld [smem:$0x3FAE]  }
0x2a: {  	p0 =	seq.s32 s5, $0x0;
	s5 =	sld [smem:$0x3FAF]  }
0x2b: {  	s6 =	sld [smem:$0x3FB0]  }
0x2c: {  	s7 =	sld [smem:$0x3FB1]  }
0x2d: {  	s3 =	simm.s32 $0x108;
	s8 =	sld [smem:$0x3FB2]  }
0x2e: {  	s3 =	simm.s32 @!p0 $0x1082;
	s9 =	sld [smem:$0x3FB3]  }
0x2f: {  	lr =	sadd.s32 s0, s3;
	s0 =	sld [smem:$0x3FAA]  }
0x30: {  	s3 =	sld [smem:$0x3FAD]  }
0x31: {  	[smem:$0x3FB6] =	sst s10  }
0x32: {  	s10 =	sld [smem:$0x3FB4];
	_ =	sdelay $0x3  }
0x33: {  	p0 =	seq.s32 s10, $0x1;
	s10 =	sld [smem:$0x3FB6];
	_ =	sdelay $0x3  }
0x34: {  	[smem:$0x3FB6] =	sst s10  }
0x35: {  	s10 =	sld [smem:$0x3FB5];
	_ =	sdelay $0x3  }
0x36: {  	p1 =	seq.s32 s10, $0x1;
	s10 =	sld [smem:$0x3FB6];
	_ =	sdelay $0x3  }
0x37: {  	[smem:$0x3FB6] =	sst s10  }
0x38: {  	s10 =	sld [smem:$0x3FB7]  }
0x39: {  	_ = 	snop;
	(pc) =	sbr.ind lr, $3  }
0x3a: {  	_ = 	snop  }
0x3b: {  	_ = 	snop  }
0x3c: {  	p2 =	seq.s32 s10, $0x1;
	s10 =	sld [smem:$0x3FB6]  }
0x3d: {  	_ =	shalt  }
0x3e: {  	_ =	shalt  }
0x3f: {  	_ =	shalt  }
0x40: {  	_ =	shalt  }
0x41: {  	_ =	shalt  }
0x42: {  	_ =	shalt  }
0x43: {  	_ =	shalt  }
0x44: {  	_ =	shalt  }
0x45: {  	_ =	shalt  }
0x46: {  	_ =	shalt  }
0x47: {  	_ =	shalt  }
0x48: {  	_ =	shalt  }
0x49: {  	_ =	shalt  }
0x4a: {  	_ =	shalt  }
0x4b: {  	_ =	shalt  }
0x4c: {  	_ =	shalt  }
0x4d: {  	_ =	shalt  }
0x4e: {  	_ =	shalt  }
0x4f: {  	_ =	shalt  }
0x50: {  	_ =	shalt  }
0x51: {  	_ =	shalt  }
0x52: {  	_ =	shalt  }
0x53: {  	_ =	shalt  }
0x54: {  	_ =	shalt  }
0x55: {  	_ =	shalt  }
0x56: {  	_ =	shalt  }
0x57: {  	_ =	shalt  }
0x58: {  	_ =	shalt  }
0x59: {  	_ =	shalt  }
0x5a: {  	_ =	shalt  }
0x5b: {  	_ =	shalt  }
0x5c: {  	_ =	shalt  }
0x5d: {  	_ =	shalt  }
0x5e: {  	_ =	shalt  }
0x5f: {  	_ =	shalt  }
0x60: {  	_ =	shalt  }
0x61: {  	_ =	shalt  }
0x62: {  	_ =	shalt  }
0x63: {  	_ =	shalt  }
0x64: {  	_ =	shalt  }
0x65: {  	_ =	shalt  }
0x66: {  	_ =	shalt  }
0x67: {  	_ =	shalt  }
0x68: {  	_ =	shalt  }
0x69: {  	_ =	shalt  }
0x6a: {  	_ =	shalt  }
0x6b: {  	_ =	shalt  }
0x6c: {  	_ =	shalt  }
0x6d: {  	_ =	shalt  }
0x6e: {  	_ =	shalt  }
0x6f: {  	_ =	shalt  }
0x70: {  	_ =	shalt  }
0x71: {  	_ =	shalt  }
0x72: {  	_ =	shalt  }
0x73: {  	_ =	shalt  }
0x74: {  	_ =	shalt  }
0x75: {  	_ =	shalt  }
0x76: {  	_ =	shalt  }
0x77: {  	_ =	shalt  }
0x78: {  	_ =	shalt  }
0x79: {  	_ =	shalt  }
0x7a: {  	_ =	shalt  }
0x7b: {  	_ =	shalt  }
0x7c: {  	_ =	shalt  }
0x7d: {  	_ =	shalt  }
0x7e: {  	_ =	shalt  }
0x7f: {  	_ =	shalt  }
0x80: {  	_ =	shalt  }
0x81: {  	_ =	shalt  }
0x82: {  	_ =	shalt  }
0x83: {  	_ =	shalt  }
0x84: {  	_ =	shalt  }
0x85: {  	_ =	shalt  }
0x86: {  	_ =	shalt  }
0x87: {  	_ =	shalt  }
.Lfunc_end0:
.L_simem_size_0:
called_computation.2_lowered:
.L_overlay_start_0:
0x88: {  	s2 =	sld [smem:$0x3FD9]  }
0x89: {  	s3 =	sld [smem:$0x3FFE];
	_ =	sdelay $0x1  }
0x8a: {  	s1 =	srdreg.scid  }
0x8b: {  	s0 =	sand.u32 $0x1, s1  }
0x8c: {  	s16 =	sshll.u32 s0, $0xA;
	s2 =	sadd.s32 s3, s2  }
0x8d: {  	s2 =	sadd.s32 s2, s16  }
0x8e: {  	[smem:$0x3FC2] =	sst s2  }
0x8f: {  	_ = 	snop  }
0x90: {  	(tm) =	ssettm $0x1  }
0x91: {  	s17 =	sld [smem:$0x3FFB];
	_ =	sdelay $0x3  }
0x92: {  	_ =	strace s17  }
0x93: {  	s2 =	sld [smem:$0x3FFC];
	_ =	sdelay $0x3  }
0x94: {  	_ =	strace s2  }
0x95: {  	s2 =	sld [smem:$0x3FFD];
	_ =	sdelay $0x3  }
0x96: {  	_ =	strace s2  }
0x97: {  	_ =	strace $0x8FFFFFFF  }
0x98: {  	s18 =	sld [smem:$0x3FDB];
	_ =	sdelay $0x1  }
0x99: {  	s19 =	simm.s32 $_scs_section_size  }
0x9a: {  	s4 =	simm.s32 $_size__tile_overlayer_lowered;
	s5 =	simm.s32 $_tile_overlayer_lowered  }
0x9b: {  	s22 =	simm.s32 $0x1BFF;
	s21 =	sshll.u32 s5, $0x1;
	s2 =	sadd.s32 s19, s18  }
0x9c: {  	s6 =	simm.s32 $0x0;
	s20 =	sshll.u32 s4, $0x1;
	s4 =	sadd.s32 s21, s2  }
0x9d: {  	[timem:s6], [sflag:s22] =	dma.local [hbm:s4], s20  }
0x9e: {  	_ =	swait.ge [sflag:s22], s20  }
0x9f: {  	s3 =	ssub.s32 $0x0, s20;
	[sflag:s22] =	ssyncset.done $0x0  }
0xa0: {  	[sflag:s22] =	ssyncadd.s32 s3;
	_ =	sdelay $0x1  }
0xa1: {  	s23 =	simm.s32 $0x1B8B  }
0xa2: {  	_ =	swait.ge [sflag:s23], $0x1  }
0xa3: {  	[sflag:s23] =	ssyncset.done $0x0  }
0xa4: {  	s25 =	simm.s32 $0x1B8E;
	s24 =	sld [smem:$0x3FFE];
	[sflag:s23] =	ssyncadd.s32 $0xFFFFFFFF  }
0xa5: {  	s26 =	simm.s32 $execute0_lowered;
	[smem:$0x3FD2] =	sst s25  }
0xa6: {  	s4 =	sshll.u32 s26, $0x1;
	_ =	strace $0x8000004C;
	[dreg:$0x1] =	wrdreg $0xFFFFFFFF  }
0xa7: {  	s28 =	simm.s32 $_size_execute0_lowered;
	s2 =	sadd.s32 s2, s4;
	[dreg:$0x0] =	wrdreg $0x0  }
0xa8: {  	s4 =	sshll.u32 s28, $0x1;
	[dreg:$0x2] =	wrdreg s2  }
0xa9: {  	[dreg:$0x3] =	wrdreg s4  }
0xaa: {  	[dreg:$0x4] =	wrdreg $0xC0  }
0xab: {  	_ =	task [dreg:s6], $0x5FFFF  }
0xac: {  	[dreg:$0x1] =	wrdreg $0xFFFFFFFF  }
0xad: {  	[dreg:$0x0] =	wrdreg $0x60  }
0xae: {  	[dreg:$0x2] =	wrdreg s24  }
0xaf: {  	[dreg:$0x3] =	wrdreg $0x58200  }
0xb0: {  	[dreg:$0x4] =	wrdreg $0x7F300  }
0xb1: {  	[dreg:$0x5] =	wrdreg $0x9  }
0xb2: {  	_ =	task.clear_ibuf [dreg:s6], $0x6FFFF;
	_ =	strace $0x9000004C  }
0xb3: {  	s29 =	simm.s32 $0x9;
	_ =	strace $0x8000004E  }
0xb4: {  	_ =	swait.ge [sflag:s29], $0x1  }
0xb5: {  	[sflag:s29] =	ssyncadd.s32 $0xFFFFFFFF  }
0xb6: {  	_ =	strace $0x9000004E  }
0xb7: {  	_ =	sfence  }
0xb8: {  	s30 =	sld [smem:$0x0];
	_ =	sdelay $0x2  }
0xb9: {  	s31 =	sshll.u32 s1, $0xD;
	s1 =	sshrl.u32 s1, $0x2  }
0xba: {  	s3 =	sand.u32 $0x4000, s31;
	s1 =	sadd.s32 s1, s30  }
0xbb: {  	s0 =	sor.u32 s3, s0;
	s1 =	sshll.u32 s1, $0x11  }
0xbc: {  	s0 =	sor.u32 s1, s0  }
0xbd: {  	s0 =	sadd.s32 $0x8F2B, s0  }
0xbe: {  	[sflag:s0] =	ssyncadd.remote.s32 $0x1  }
0xbf: {  	_ =	sfence.sel $0xFFFF  }
0xc0: {  	[dreg:$0x0] =	wrdreg $0xFFFFFFFF;
	(pc) =	sbr.abs _section_cstart, $3  }
0xc1: {  	[dreg:$0x1] =	wrdreg $0xFFFFFFFF  }
0xc2: {  	_ =	task.clear_ibuf [dreg:s6], $0x2FFFF;
	_ =	strace $0x9FFFFFFF  }
0xc3: {  	(tm) =	ssettm $0x7FFFFFFF  }
tec
execute0_lowered:
.L_overlay_start_1:
0x0: {  	(tag) =	ssettag $0x1  }
0x1: {  	s5 =	rddreg [dreg:$0x0]  }
0x2: {  	s2 =	rddreg [dreg:$0x1]  }
0x3: {  	s0 =	srdreg.scid;
	s3 =	rddreg [dreg:$0x2];
	s4 =	simm.s32 $0x0  }
0x4: {  	s14 =	simm.s32 $0x3;
	s15 =	simm.s32 $0x2710;
	s16 =	simm.s32 $0x50  }
0x5: {  	s17 =	simm.s32 $0x4E20;
	s18 =	simm.s32 $0x5320;
	s19 =	simm.s32 $0x1  }
0x6: {  	s20 =	simm.s32 $0x2;
	s6 =	sand.u32 $0x1, s0;
	s0 =	stileid.u32  }
0x7: {  	s21 =	simm.s32 $0x4DD0;
	s22 =	simm.s32 $0x0;
	s7 =	smul.u32 $0x3E80, s0  }
0x8: {  	[smem:$0x7FF] =	sst s4;
	s1 =	sshll.u32 s6, $0x4;
	s10 =	smul.u32 $0x27100, s6  }
0x9: {  	s6 =	ssub.s32 $0x2, s6;
	p0 =	sgt.u32 s0, $0x9;
	s8 =	sor.u32 s0, s1  }
0xa: {  	s1 =	rddreg [dreg:$0x3];
	_ =	strace $0x8000004D;
	s11 =	sshrl.u32 s6, $0x1  }
0xb: {  	s8 =	smul.u32 $0x2710, s8;
	s9 =	sshrl.u32 s7, $0x3;
	s10 =	sadd.s32 s7, s10  }
0xc: {  	s11 =	ssub.s32 s6, s11;
	s12 =	sadd.s32 s7, s2;
	s13 =	sadd.s32 s7, s3  }
0xd: {  	s9 =	sadd.s32 s9, s5;
	s10 =	sshrl.u32 s10, $0x3;
	s12 =	sshrl.u32 @!p0 s12, $0x3  }
0xe: {  	s13 =	sshrl.u32 @!p0 s13, $0x3;
	s8 =	sshrl.u32 s8, $0x3;
	s10 =	sadd.s32 s10, s5  }
0xf: {  	s6 =	sadd.s32 $0x1AC00, s9;
	s8 =	sadd.s32 s8, s5;
	s5 =	sadd.s32 $0x15C00, s9  }
0x10: {  	s9 =	sadd.s32 $0x1FC00, s10;
	s10 =	smax.u32 s11, $0x1;
	s11 =	sshll.u32 @!p0 s0, $0x6  }
0x11: {  	s7 =	sadd.s32 $0x2200, s8;
	s8 =	sadd.s32 $0xBE40, s8;
	s11 =	sor.u32 @!p0 $0x1C03, s11  }
.LBB2_1:
0x12: {  	[spmem:s12], [sflag:s11] =	dma.local @!p0 [hbm:s5], $0x7D0  }
0x13: {  	s23 =	simm.s32 @!p0 $0x3  }
0x14: {  	_ =	swait.ge @!p0 [sflag:s23], $0x7D0  }
0x15: {  	[sflag:s23] =	ssyncset.done @!p0 $0x0  }
0x16: {  	[sflag:s23] =	ssyncadd.s32 @!p0 $0xFFFFF830  }
0x17: {  	[spmem:s13], [sflag:s11] =	dma.local @!p0 [hbm:s6], $0x7D0  }
0x18: {  	_ =	swait.ge @!p0 [sflag:s23], $0x7D0  }
0x19: {  	[sflag:s23] =	ssyncset.done @!p0 $0x0  }
0x1a: {  	[sflag:s23] =	ssyncadd.s32 @!p0 $0xFFFFF830  }
0x1b: {  	[tilespmem:s4], [sflag:$0x3] =	stream.linear.gather [hbm4b:s7+s4], $0x2710, $0x38;
	[tilespmem:$0xA640] =	vst v63  }
0x1c: {  	_ =	swait.ge [sflag:s14], $0x2710  }
0x1d: {  	[sflag:s14] =	ssyncset.done $0x0  }
0x1e: {  	[sflag:s14] =	ssyncadd.s32 $0xFFFFD8F0  }
0x1f: {  	[tilespmem:s15], [sflag:$0x3] =	stream.linear.gather [hbm4b:s8+s4], $0x2710, $0x38;
	[tilespmem:$0xA640] =	vst v63  }
0x20: {  	_ =	swait.ge [sflag:s14], $0x2710  }
0x21: {  	[sflag:s14] =	ssyncset.done $0x0  }
0x22: {  	[sflag:s14] =	ssyncadd.s32 $0xFFFFD8F0  }
0x23: {  	[bflag:$0x0] =	sbarrier.arrive $0xFFFF  }
0x24: {  	[tilespmem:s17], [sflag:$0x1] =	stream.indirect.gather [spmem:s3], $0x10, s4, s16, $0xb8;
	[tilespmem:$0xA640] =	vst v63  }
0x25: {  	s28 =	simm.s32 $0x50  }
0x26: {  	[tilespmem:s18], [sflag:$0x2] =	stream.indirect.gather [spmem:s3], $0x10, s28, s16, $0xb8;
	[tilespmem:$0xA640] =	vst v63  }
0x27: {  	_ =	swait.ge [sflag:s19], $0x500  }
0x28: {  	[sflag:s19] =	ssyncset.done $0x0  }
0x29: {  	s29 =	simm.s32 $0x2710;
	[sflag:s19] =	ssyncadd.s32 $0xFFFFFB00  }
0x2a: {  	[spmem:s2] =	stream.indirect.scatter.add.f32 [tilespmem:s17], [sflag:$0x3], $0x10, s29, s16, $0xb8;
	[tilespmem:$0xA640] =	vst v63  }
0x2b: {  	_ =	swait.ge [sflag:s14], $0x500  }
0x2c: {  	[sflag:s14] =	ssyncset.done $0x0  }
0x2d: {  	s30 =	simm.s32 $0xA0;
	[sflag:s14] =	ssyncadd.s32 $0xFFFFFB00  }
0x2e: {  	[tilespmem:s17], [sflag:$0x1] =	stream.indirect.gather [spmem:s3], $0x10, s30, s16, $0xb8;
	[tilespmem:$0xA640] =	vst v63  }
0x2f: {  	_ =	swait.ge [sflag:s20], $0x500  }
0x30: {  	[sflag:s20] =	ssyncset.done $0x0  }
0x31: {  	s31 =	simm.s32 $0x2760;
	[sflag:s20] =	ssyncadd.s32 $0xFFFFFB00  }
0x32: {  	[spmem:s2] =	stream.indirect.scatter.add.f32 [tilespmem:s18], [sflag:$0x3], $0x10, s31, s16, $0xb8;
	[tilespmem:$0xA640] =	vst v63  }
0x33: {  	_ =	swait.ge [sflag:s14], $0x500  }
0x34: {  	s24 =	simm.s32 $0x500;
	s23 =	simm.s32 $0xA0;
	[sflag:s14] =	ssyncset.done $0x0  }
.LBB2_2:
0x35: {  	s25 =	sadd.s32 $0x50, s23  }
0x36: {  	[sflag:s14] =	ssyncadd.s32 $0xFFFFFB00;
	s26 =	smov.u32 s24;
	s28 =	sadd.s32 $0x280, s24  }
0x37: {  	[tilespmem:s18], [sflag:$0x2] =	stream.indirect.gather [spmem:s3], $0x10, s25, s16, $0xb8;
	[tilespmem:$0xA640] =	vst v63  }
0x38: {  	p1 =	sne.s32 s24, $0x9880;
	_ =	swait.ge [sflag:s19], $0x500  }
0x39: {  	[sflag:s19] =	ssyncset.done $0x0  }
0x3a: {  	s24 =	sadd.s32 $0x2710, s23;
	[sflag:s19] =	ssyncadd.s32 $0xFFFFFB00  }
0x3b: {  	[spmem:s2] =	stream.indirect.scatter.add.f32 [tilespmem:s17], [sflag:$0x3], $0x10, s24, s16, $0xb8;
	[tilespmem:$0xA640] =	vst v63  }
0x3c: {  	_ =	swait.ge [sflag:s14], $0x500  }
0x3d: {  	[sflag:s14] =	ssyncset.done $0x0  }
0x3e: {  	s24 =	sadd.s32 $0xA0, s23;
	[sflag:s14] =	ssyncadd.s32 $0xFFFFFB00  }
0x3f: {  	[tilespmem:s17], [sflag:$0x1] =	stream.indirect.gather [spmem:s3], $0x10, s24, s16, $0xb8;
	[tilespmem:$0xA640] =	vst v63  }
0x40: {  	_ =	swait.ge [sflag:s20], $0x500  }
.Ltmp0:
0x41: {  	[sflag:s20] =	ssyncset.done $0x0;
	(pc) =	sbr.rel @p1 .LBB2_2-.Ltmp0, $4  }
0x42: {  	s23 =	sadd.s32 $0x2760, s23;
	[sflag:s20] =	ssyncadd.s32 $0xFFFFFB00  }
0x43: {  	[spmem:s2] =	stream.indirect.scatter.add.f32 [tilespmem:s18], [sflag:$0x3], $0x10, s23, s16, $0xb8;
	[tilespmem:$0xA640] =	vst v63  }
0x44: {  	_ =	swait.ge [sflag:s14], $0x500  }
0x45: {  	s24 =	smov.u32 s28;
	s23 =	sshra.s32 s26, $0x2;
	[sflag:s14] =	ssyncset.done $0x0  }
0x46: {  	s24 =	sadd.s32 $0x50, s23;
	[sflag:s14] =	ssyncadd.s32 $0xFFFFFB00  }
0x47: {  	[tilespmem:s18], [sflag:$0x2] =	stream.indirect.gather [spmem:s3], $0x10, s24, s16, $0xb8;
	[tilespmem:$0xA640] =	vst v63  }
0x48: {  	_ =	swait.ge [sflag:s19], $0x500  }
0x49: {  	[sflag:s19] =	ssyncset.done $0x0  }
0x4a: {  	s29 =	sadd.s32 $0x2710, s23;
	[sflag:s19] =	ssyncadd.s32 $0xFFFFFB00  }
0x4b: {  	[spmem:s2] =	stream.indirect.scatter.add.f32 [tilespmem:s17], [sflag:$0x3], $0x10, s29, s16, $0xb8;
	[tilespmem:$0xA640] =	vst v63  }
0x4c: {  	_ =	swait.ge [sflag:s14], $0x500  }
0x4d: {  	[sflag:s14] =	ssyncset.done $0x0  }
0x4e: {  	s30 =	sadd.s32 $0xA0, s23;
	[sflag:s14] =	ssyncadd.s32 $0xFFFFFB00  }
0x4f: {  	[tilespmem:s17], [sflag:$0x1] =	stream.indirect.gather [spmem:s3], $0x10, s30, s16, $0xb8;
	[tilespmem:$0xA640] =	vst v63  }
0x50: {  	_ =	swait.ge [sflag:s20], $0x500  }
0x51: {  	[sflag:s20] =	ssyncset.done $0x0  }
0x52: {  	s31 =	sadd.s32 $0x2760, s23;
	[sflag:s20] =	ssyncadd.s32 $0xFFFFFB00  }
0x53: {  	[spmem:s2] =	stream.indirect.scatter.add.f32 [tilespmem:s18], [sflag:$0x3], $0x10, s31, s16, $0xb8;
	[tilespmem:$0xA640] =	vst v63  }
0x54: {  	_ =	swait.ge [sflag:s14], $0x500  }
0x55: {  	[sflag:s14] =	ssyncset.done $0x0  }
0x56: {  	[sflag:s14] =	ssyncadd.s32 $0xFFFFFB00  }
0x57: {  	_ =	swait.ge [sflag:s19], $0x500  }
0x58: {  	[sflag:s19] =	ssyncset.done $0x0  }
0x59: {  	[sflag:s19] =	ssyncadd.s32 $0xFFFFFB00  }
0x5a: {  	[spmem:s2] =	stream.indirect.scatter.add.f32 [tilespmem:s17], [sflag:$0x3], $0x10, s21, s16, $0xb8;
	[tilespmem:$0xA640] =	vst v63  }
0x5b: {  	_ =	swait.ge [sflag:s14], $0x500  }
0x5c: {  	s22 =	sadd.s32 $0x1, s22;
	[sflag:s14] =	ssyncset.done $0x0  }
0x5d: {  	p1 =	sne.s32 s22, s10;
	[sflag:s14] =	ssyncadd.s32 $0xFFFFFB00  }
.Ltmp1:
0x5e: {  	s23 =	simm.s32 @!p0 $0x3;
	[bflag:$0x0] =	sbarrier.arrive $0xFFFF;
	(pc) =	sbr.rel @p1 .LBB2_1-.Ltmp1, $4  }
0x5f: {  	[hbm:s9], [sflag:s11] =	dma.local @!p0 [spmem:s12], $0x7D0  }
0x60: {  	_ =	swait.ge @!p0 [sflag:s23], $0x7D0  }
0x61: {  	[sflag:s23] =	ssyncset.done @!p0 $0x0  }
0x62: {  	[sflag:s23] =	ssyncadd.s32 @!p0 $0xFFFFF830  }
0x63: {  	_ =	sfence.sel $0x180000  }
0x64: {  	[bflag:$0x0] =	sbarrier.arrive $0xFFFF  }
0x65: {  	p0 =	sne.s32 s0, $0x0;
	_ =	strace $0x9000004D  }
0x66: {  	s0 =	sadd.s32 @!p0 $0x100000, s1;
	[bflag:$0x2] =	sbarrier.arrive $0xFFFF  }
0x67: {  	[sflag:s0] =	ssyncadd.tile.s32 @!p0 $0x1;
	_ =	shalt  }
.Lfunc_end2:
_tile_overlayer_lowered:
.L_overlay_start_2:
0x68: {  	(tag) =	ssettag $0x2  }
0x69: {  	s0 =	rddreg [dreg:$0x0];
	s2 =	stileid.u32  }
0x6a: {  	s1 =	rddreg [dreg:$0x1];
	p0 =	sne.s32 s2, $0x0  }
0x6b: {  	s3 =	rddreg [dreg:$0x2];
	[bflag:$0x3] =	sbarrier.arrive $0xFFFF;
	s2 =	simm.s32 @!p0 $0x1C03  }
0x6c: {  	[timem:s3], [sflag:s2] =	dma.local @!p0 [hbm:s0], s1  }
0x6d: {  	s0 =	simm.s32 @!p0 $0x3  }
0x6e: {  	_ =	swait.ge @!p0 [sflag:s0], s1  }
0x6f: {  	s1 =	ssub.s32 @!p0 $0x0, s1;
	[sflag:s0] =	ssyncset.done @!p0 $0x0  }
0x70: {  	[sflag:s0] =	ssyncadd.s32 @!p0 s1  }
0x71: {  	[bflag:$0x3] =	sbarrier.arrive $0xFFFF  }
0x72: {  	_ =	shalt  }

// kernel: kernel.9.cloned.1.call-start
scs
__scs_entry_jumppad:
0x0: {  	(pc) =	sbr.rel $0x88, $3  }
0x1: {  	(tag) =	ssettag $0x0;
	lr =	simm.s32 $0x1  }
0x2: {  	[smem:$0x3F9B] =	sst lr;
	_ =	strace $0xD0000000  }
0x3: {  	_ = 	snop  }
0x4: {  	_ = 	snop  }
0x5: {  	_ = 	snop  }
0x6: {  	_ = 	snop  }
0x7: {  	_ = 	snop  }
__scs_overlays_trampoline_lowered:
0x8: {  	[smem:$0x3FAA] =	sst s0  }
0x9: {  	[smem:$0x3FAB] =	sst s1  }
0xa: {  	[smem:$0x3FAC] =	sst s2  }
0xb: {  	[smem:$0x3FAD] =	sst s3  }
0xc: {  	[smem:$0x3FAE] =	sst s4  }
0xd: {  	[smem:$0x3FAF] =	sst s5  }
0xe: {  	[smem:$0x3FB0] =	sst s6  }
0xf: {  	[smem:$0x3FB1] =	sst s7  }
0x10: {  	[smem:$0x3FB2] =	sst s8  }
0x11: {  	[smem:$0x3FB3] =	sst s9;
	s0 =	simm.s32 @!p0 $0x0  }
0x12: {  	s1 =	sld [smem:$0x3F99];
	s0 =	simm.s32 @p0 $0x1  }
0x13: {  	[smem:$0x3FB4] =	sst s0;
	s0 =	simm.s32 @!p1 $0x0  }
0x14: {  	s2 =	sld [smem:$0x3F98];
	s0 =	simm.s32 @p1 $0x1  }
0x15: {  	[smem:$0x3FB5] =	sst s0;
	s0 =	simm.s32 @!p2 $0x0  }
0x16: {  	s3 =	sld [smem:$0x3FDB];
	s0 =	simm.s32 @p2 $0x1  }
0x17: {  	s4 =	simm.s32 $0x1BF5;
	[smem:$0x3FB7] =	sst s0  }
0x18: {  	s0 =	sld [smem:$0x3F9A];
	_ =	swait.ge [sflag:s4], $0x0  }
0x19: {  	s7 =	sld [smem:$0x3F9B]  }
0x1a: {  	s8 =	sadd.s32 $0xFFFFE003, lr  }
0x1b: {  	s9 =	sadd.s32 $0xFFFFFEF7, lr;
	s5 =	simm.s32 $0xFFFFFFFF;
	p2 =	slt.u32 s8, $0xFFFFF086  }
0x1c: {  	p1 =	slt.u32 s9, $0xF7A;
	s5 =	simm.s32 @!p2 $0x0  }
0x1d: {  	s5 =	simm.s32 @p1 $0x1;
	p0 =	seq.s32 s7, s2  }
0x1e: {  	s7 =	smul.u32 @!p0 $0xF7A, s2;
	p2 =	seq.s32 @!p0 s5, $0x0  }
0x1f: {  	s9 =	smul.u32 $0xF7A, s1;
	s8 =	simm.s32 @!p0 $0x1BF5;
	p2 =	por !p2, p0  }
0x20: {  	[sflag:s8] =	ssyncset.s32 @!p0 $0xFFFFF086;
	s6 =	sadd.s32 @!p0 s3, s7;
	s7 =	simm.s32 @!p0 $0x108  }
0x21: {  	s3 =	sadd.s32 s3, s9;
	s6 =	sadd.s32 @!p0 $0x88, s6;
	s7 =	simm.s32 @p2 $0x1082  }
0x22: {  	[simem:s7], [sflag:s8] =	dma.local @!p0 [hbm:s6], $0xF7A  }
0x23: {  	s9 =	sor.u32 $0xD0000000, s2;
	s6 =	simm.s32 $0x108;
	_ =	swait.ge @!p0 [sflag:s8], $0x0  }
0x24: {  	s3 =	sadd.s32 $0x88, s3;
	s6 =	simm.s32 @!p1 $0x1082;
	[sflag:s4] =	ssyncset.s32 $0xFFFFF086  }
0x25: {  	[simem:s6], [sflag:s4] =	dma.local [hbm:s3], $0xF7A  }
0x26: {  	[smem:$0x3F9B] =	sst s1;
	(tag) =	ssettag s2;
	_ =	strace s9  }
0x27: {  	s1 =	sld [smem:$0x3FAB]  }
0x28: {  	s2 =	sld [smem:$0x3FAC]  }
0x29: {  	s4 =	sld [smem:$0x3FAE]  }
0x2a: {  	p0 =	seq.s32 s5, $0x0;
	s5 =	sld [smem:$0x3FAF]  }
0x2b: {  	s6 =	sld [smem:$0x3FB0]  }
0x2c: {  	s7 =	sld [smem:$0x3FB1]  }
0x2d: {  	s3 =	simm.s32 $0x108;
	s8 =	sld [smem:$0x3FB2]  }
0x2e: {  	s3 =	simm.s32 @!p0 $0x1082;
	s9 =	sld [smem:$0x3FB3]  }
0x2f: {  	lr =	sadd.s32 s0, s3;
	s0 =	sld [smem:$0x3FAA]  }
0x30: {  	s3 =	sld [smem:$0x3FAD]  }
0x31: {  	[smem:$0x3FB6] =	sst s10  }
0x32: {  	s10 =	sld [smem:$0x3FB4];
	_ =	sdelay $0x3  }
0x33: {  	p0 =	seq.s32 s10, $0x1;
	s10 =	sld [smem:$0x3FB6];
	_ =	sdelay $0x3  }
0x34: {  	[smem:$0x3FB6] =	sst s10  }
0x35: {  	s10 =	sld [smem:$0x3FB5];
	_ =	sdelay $0x3  }
0x36: {  	p1 =	seq.s32 s10, $0x1;
	s10 =	sld [smem:$0x3FB6];
	_ =	sdelay $0x3  }
0x37: {  	[smem:$0x3FB6] =	sst s10  }
0x38: {  	s10 =	sld [smem:$0x3FB7]  }
0x39: {  	_ = 	snop;
	(pc) =	sbr.ind lr, $3  }
0x3a: {  	_ = 	snop  }
0x3b: {  	_ = 	snop  }
0x3c: {  	p2 =	seq.s32 s10, $0x1;
	s10 =	sld [smem:$0x3FB6]  }
0x3d: {  	_ =	shalt  }
0x3e: {  	_ =	shalt  }
0x3f: {  	_ =	shalt  }
0x40: {  	_ =	shalt  }
0x41: {  	_ =	shalt  }
0x42: {  	_ =	shalt  }
0x43: {  	_ =	shalt  }
0x44: {  	_ =	shalt  }
0x45: {  	_ =	shalt  }
0x46: {  	_ =	shalt  }
0x47: {  	_ =	shalt  }
0x48: {  	_ =	shalt  }
0x49: {  	_ =	shalt  }
0x4a: {  	_ =	shalt  }
0x4b: {  	_ =	shalt  }
0x4c: {  	_ =	shalt  }
0x4d: {  	_ =	shalt  }
0x4e: {  	_ =	shalt  }
0x4f: {  	_ =	shalt  }
0x50: {  	_ =	shalt  }
0x51: {  	_ =	shalt  }
0x52: {  	_ =	shalt  }
0x53: {  	_ =	shalt  }
0x54: {  	_ =	shalt  }
0x55: {  	_ =	shalt  }
0x56: {  	_ =	shalt  }
0x57: {  	_ =	shalt  }
0x58: {  	_ =	shalt  }
0x59: {  	_ =	shalt  }
0x5a: {  	_ =	shalt  }
0x5b: {  	_ =	shalt  }
0x5c: {  	_ =	shalt  }
0x5d: {  	_ =	shalt  }
0x5e: {  	_ =	shalt  }
0x5f: {  	_ =	shalt  }
0x60: {  	_ =	shalt  }
0x61: {  	_ =	shalt  }
0x62: {  	_ =	shalt  }
0x63: {  	_ =	shalt  }
0x64: {  	_ =	shalt  }
0x65: {  	_ =	shalt  }
0x66: {  	_ =	shalt  }
0x67: {  	_ =	shalt  }
0x68: {  	_ =	shalt  }
0x69: {  	_ =	shalt  }
0x6a: {  	_ =	shalt  }
0x6b: {  	_ =	shalt  }
0x6c: {  	_ =	shalt  }
0x6d: {  	_ =	shalt  }
0x6e: {  	_ =	shalt  }
0x6f: {  	_ =	shalt  }
0x70: {  	_ =	shalt  }
0x71: {  	_ =	shalt  }
0x72: {  	_ =	shalt  }
0x73: {  	_ =	shalt  }
0x74: {  	_ =	shalt  }
0x75: {  	_ =	shalt  }
0x76: {  	_ =	shalt  }
0x77: {  	_ =	shalt  }
0x78: {  	_ =	shalt  }
0x79: {  	_ =	shalt  }
0x7a: {  	_ =	shalt  }
0x7b: {  	_ =	shalt  }
0x7c: {  	_ =	shalt  }
0x7d: {  	_ =	shalt  }
0x7e: {  	_ =	shalt  }
0x7f: {  	_ =	shalt  }
0x80: {  	_ =	shalt  }
0x81: {  	_ =	shalt  }
0x82: {  	_ =	shalt  }
0x83: {  	_ =	shalt  }
0x84: {  	_ =	shalt  }
0x85: {  	_ =	shalt  }
0x86: {  	_ =	shalt  }
0x87: {  	_ =	shalt  }
.Lfunc_end0:
.L_simem_size_0:
called_computation_lowered:
.L_overlay_start_0:
0x88: {  	s2 =	sld [smem:$0x3FD9]  }
0x89: {  	s3 =	sld [smem:$0x3FFE];
	_ =	sdelay $0x1  }
0x8a: {  	s1 =	srdreg.scid  }
0x8b: {  	s0 =	sand.u32 $0x1, s1  }
0x8c: {  	s17 =	sshll.u32 s0, $0xA;
	s2 =	sadd.s32 s3, s2  }
0x8d: {  	s2 =	sadd.s32 s2, s17  }
0x8e: {  	[smem:$0x3FC2] =	sst s2  }
0x8f: {  	_ = 	snop  }
0x90: {  	s2 =	sld [smem:$0x3FD0];
	(tm) =	ssettm $0x1  }
0x91: {  	s18 =	sld [smem:$0x3FFB];
	_ =	sdelay $0x3  }
0x92: {  	_ =	strace s18  }
0x93: {  	s3 =	sld [smem:$0x3FFC];
	_ =	sdelay $0x3  }
0x94: {  	_ =	strace s3  }
0x95: {  	s3 =	sld [smem:$0x3FFD];
	_ =	sdelay $0x3  }
0x96: {  	_ =	strace s3  }
0x97: {  	_ =	strace $0x8FFFFFFF  }
0x98: {  	s19 =	sld [smem:$0x3FDB];
	_ =	sdelay $0x1  }
0x99: {  	s4 =	simm.s32 $_scs_section_size  }
0x9a: {  	s5 =	simm.s32 $_size__tile_overlayer_lowered;
	s6 =	simm.s32 $_tile_overlayer_lowered  }
0x9b: {  	s22 =	simm.s32 $0x1BFF;
	s21 =	sshll.u32 s6, $0x1;
	s3 =	sadd.s32 s4, s19  }
0x9c: {  	s7 =	simm.s32 $0x0;
	s20 =	sshll.u32 s5, $0x1;
	s5 =	sadd.s32 s21, s3  }
0x9d: {  	[timem:s7], [sflag:s22] =	dma.local [hbm:s5], s20  }
0x9e: {  	_ =	swait.ge [sflag:s22], s20  }
0x9f: {  	s4 =	ssub.s32 $0x0, s20;
	[sflag:s22] =	ssyncset.done $0x0  }
0xa0: {  	[sflag:s22] =	ssyncadd.s32 s4;
	_ =	sdelay $0x1  }
0xa1: {  	s23 =	simm.s32 $0x1B8B  }
0xa2: {  	_ =	swait.ge [sflag:s23], $0x1  }
0xa3: {  	[sflag:s23] =	ssyncset.done $0x0  }
0xa4: {  	s25 =	simm.s32 $0x1B8E;
	s24 =	sld [smem:$0x3FFE];
	[sflag:s23] =	ssyncadd.s32 $0xFFFFFFFF  }
0xa5: {  	s26 =	simm.s32 $execute0_lowered;
	[smem:$0x3FD2] =	sst s25  }
0xa6: {  	s5 =	sshll.u32 s26, $0x1;
	_ =	strace $0x80000046;
	[dreg:$0x1] =	wrdreg $0xFFFFFFFF  }
0xa7: {  	s28 =	simm.s32 $_size_execute0_lowered;
	s3 =	sadd.s32 s3, s5;
	[dreg:$0x0] =	wrdreg $0x0  }
0xa8: {  	s5 =	sshll.u32 s28, $0x1;
	[dreg:$0x2] =	wrdreg s3  }
0xa9: {  	[dreg:$0x3] =	wrdreg s5  }
0xaa: {  	[dreg:$0x4] =	wrdreg $0xC0  }
0xab: {  	_ =	task [dreg:s7], $0x5FFFF  }
0xac: {  	[dreg:$0x1] =	wrdreg $0xFFFFFFFF  }
0xad: {  	[dreg:$0x0] =	wrdreg $0x60  }
0xae: {  	[dreg:$0x2] =	wrdreg s24  }
0xaf: {  	[dreg:$0x3] =	wrdreg s2  }
0xb0: {  	[dreg:$0x4] =	wrdreg $0x2C100  }
0xb1: {  	[dreg:$0x5] =	wrdreg $0x9  }
0xb2: {  	_ =	task.clear_ibuf [dreg:s7], $0x6FFFF;
	_ =	strace $0x90000046  }
0xb3: {  	s29 =	simm.s32 $0x9;
	_ =	strace $0x80000048  }
0xb4: {  	_ =	swait.ge [sflag:s29], $0x1  }
0xb5: {  	[sflag:s29] =	ssyncadd.s32 $0xFFFFFFFF  }
0xb6: {  	_ =	strace $0x90000048  }
0xb7: {  	_ =	sfence  }
0xb8: {  	s30 =	sld [smem:$0x0];
	_ =	sdelay $0x2  }
0xb9: {  	s31 =	sshll.u32 s1, $0xD;
	s1 =	sshrl.u32 s1, $0x2  }
0xba: {  	s3 =	sand.u32 $0x4000, s31;
	s1 =	sadd.s32 s1, s30  }
0xbb: {  	s0 =	sor.u32 s3, s0;
	s1 =	sshll.u32 s1, $0x11  }
0xbc: {  	s0 =	sor.u32 s1, s0  }
0xbd: {  	s0 =	sadd.s32 $0x8F2B, s0  }
0xbe: {  	[sflag:s0] =	ssyncadd.remote.s32 $0x1  }
0xbf: {  	_ =	sfence.sel $0xFFFF  }
0xc0: {  	[dreg:$0x0] =	wrdreg $0xFFFFFFFF;
	(pc) =	sbr.abs _section_cstart, $3  }
0xc1: {  	[dreg:$0x1] =	wrdreg $0xFFFFFFFF  }
0xc2: {  	_ =	task.clear_ibuf [dreg:s7], $0x2FFFF;
	_ =	strace $0x9FFFFFFF  }
0xc3: {  	(tm) =	ssettm $0x7FFFFFFF  }
tec
execute0_lowered:
.L_overlay_start_1:
0x0: {  	(tag) =	ssettag $0x1  }
0x1: {  	s5 =	rddreg [dreg:$0x0]  }
0x2: {  	s2 =	rddreg [dreg:$0x1]  }
0x3: {  	s3 =	rddreg [dreg:$0x2]  }
0x4: {  	s0 =	rddreg [dreg:$0x3];
	s1 =	stileid.u32  }
0x5: {  	s6 =	srdreg.scid;
	s4 =	simm.s32 $0x0;
	s13 =	simm.s32 $0x50  }
0x6: {  	s14 =	simm.s32 $0x0;
	s7 =	smul.u32 $0x3E80, s1;
	s6 =	sand.u32 $0x1, s6  }
0x7: {  	[smem:$0x7FF] =	sst s4;
	p0 =	sgt.u32 s1, $0x9;
	s9 =	sshll.u32 s6, $0x4  }
0x8: {  	s8 =	smul.u32 $0x27100, s6;
	_ =	strace $0x80000047;
	s9 =	sor.u32 s1, s9  }
0x9: {  	s6 =	ssub.s32 $0x2, s6;
	s10 =	sshrl.u32 s7, $0x3;
	s9 =	smul.u32 $0x2710, s9  }
0xa: {  	s11 =	sshrl.u32 s6, $0x1;
	s12 =	sadd.s32 s7, s3;
	s8 =	sadd.s32 s7, s8  }
0xb: {  	s10 =	sadd.s32 s10, s5;
	s8 =	sshrl.u32 s8, $0x3;
	s9 =	sshrl.u32 s9, $0x3  }
0xc: {  	s11 =	ssub.s32 s6, s11;
	s8 =	sadd.s32 s8, s5;
	s31 =	sadd.s32 s5, s9  }
0xd: {  	s5 =	sadd.s32 $0x15C00, s10;
	s7 =	sadd.s32 $0x1AC00, s8;
	s8 =	smax.u32 s11, $0x1  }
0xe: {  	s9 =	sshll.u32 @!p0 s1, $0x6;
	s10 =	sshrl.u32 @!p0 s12, $0x3;
	s11 =	simm.s32 $0x1  }
0xf: {  	s12 =	simm.s32 $0x2710;
	s6 =	sadd.s32 $0xBE40, s31;
	s9 =	sor.u32 @!p0 $0x1C01, s9  }
.LBB2_1:
0x10: {  	[spmem:s10], [sflag:s9] =	dma.local @!p0 [hbm:s5], $0x7D0  }
0x11: {  	s15 =	simm.s32 @!p0 $0x1  }
0x12: {  	_ =	swait.ge @!p0 [sflag:s15], $0x7D0  }
0x13: {  	[sflag:s15] =	ssyncset.done @!p0 $0x0  }
0x14: {  	[sflag:s15] =	ssyncadd.s32 @!p0 $0xFFFFF830  }
0x15: {  	[tilespmem:s4], [sflag:$0x1] =	stream.linear.gather [hbm4b:s6+s4], $0x2710, $0x38;
	[tilespmem:$0x5320] =	vst v63  }
0x16: {  	_ =	swait.ge [sflag:s11], $0x2710  }
0x17: {  	[sflag:s11] =	ssyncset.done $0x0  }
0x18: {  	[sflag:s11] =	ssyncadd.s32 $0xFFFFD8F0  }
0x19: {  	[tilespmem:s12], [sflag:$0x1] =	stream.linear.gather [hbm4b:s2+s4], $0x500, $0x38;
	[tilespmem:$0x5320] =	vst v63  }
0x1a: {  	_ =	swait.ge [sflag:s11], $0x500  }
0x1b: {  	[sflag:s11] =	ssyncset.done $0x0  }
0x1c: {  	[sflag:s11] =	ssyncadd.s32 $0xFFFFFB00  }
0x1d: {  	s31 =	simm.s32 $0x0;
	[bflag:$0x0] =	sbarrier.arrive $0xFFFF  }
0x1e: {  	[spmem:s3] =	stream.indirect.scatter.add.f32 [tilespmem:s12], [sflag:$0x1], $0x10, s31, s13, $0xb8;
	[tilespmem:$0x5320] =	vst v63  }
0x1f: {  	_ =	swait.ge [sflag:s11], $0x500  }
0x20: {  	s15 =	simm.s32 $0x140;
	[sflag:s11] =	ssyncset.done $0x0  }
.LBB2_2:
0x21: {  	s16 =	sshra.s32 s15, $0x2;
	[sflag:s11] =	ssyncadd.s32 $0xFFFFFB00;
	p1 =	sne.s32 s15, $0x9B00  }
0x22: {  	[spmem:s3] =	stream.indirect.scatter.add.f32 [tilespmem:s12], [sflag:$0x1], $0x10, s16, s13, $0xb8;
	[tilespmem:$0x5320] =	vst v63  }
.Ltmp0:
0x23: {  	_ = 	snop;
	(pc) =	sbr.rel @p1 .LBB2_2-.Ltmp0, $4  }
0x24: {  	_ = 	snop  }
0x25: {  	s15 =	sadd.s32 $0x140, s15  }
0x26: {  	_ =	swait.ge [sflag:s11], $0x500  }
0x27: {  	[sflag:s11] =	ssyncset.done $0x0  }
0x28: {  	s14 =	sadd.s32 $0x1, s14  }
0x29: {  	[sflag:s11] =	ssyncadd.s32 $0xFFFFFB00;
	p1 =	sne.s32 s14, s8  }
.Ltmp1:
0x2a: {  	s15 =	simm.s32 @!p0 $0x1;
	[bflag:$0x0] =	sbarrier.arrive $0xFFFF;
	(pc) =	sbr.rel @p1 .LBB2_1-.Ltmp1, $4  }
0x2b: {  	[hbm:s7], [sflag:s9] =	dma.local @!p0 [spmem:s10], $0x7D0  }
0x2c: {  	_ =	swait.ge @!p0 [sflag:s15], $0x7D0  }
0x2d: {  	[sflag:s15] =	ssyncset.done @!p0 $0x0  }
0x2e: {  	[sflag:s15] =	ssyncadd.s32 @!p0 $0xFFFFF830  }
0x2f: {  	_ =	sfence.sel $0x180000  }
0x30: {  	[bflag:$0x0] =	sbarrier.arrive $0xFFFF  }
0x31: {  	p0 =	sne.s32 s1, $0x0;
	_ =	strace $0x90000047  }
0x32: {  	s0 =	sadd.s32 @!p0 $0x100000, s0;
	[bflag:$0x2] =	sbarrier.arrive $0xFFFF  }
0x33: {  	[sflag:s0] =	ssyncadd.tile.s32 @!p0 $0x1;
	_ =	shalt  }
.Lfunc_end2:
_tile_overlayer_lowered:
.L_overlay_start_2:
0x34: {  	(tag) =	ssettag $0x2  }
0x35: {  	s0 =	rddreg [dreg:$0x0];
	s2 =	stileid.u32  }
0x36: {  	s1 =	rddreg [dreg:$0x1];
	p0 =	sne.s32 s2, $0x0  }
0x37: {  	s3 =	rddreg [dreg:$0x2];
	[bflag:$0x3] =	sbarrier.arrive $0xFFFF;
	s2 =	simm.s32 @!p0 $0x1C01  }
0x38: {  	[timem:s3], [sflag:s2] =	dma.local @!p0 [hbm:s0], s1  }
0x39: {  	s0 =	simm.s32 @!p0 $0x1  }
0x3a: {  	_ =	swait.ge @!p0 [sflag:s0], s1  }
0x3b: {  	s1 =	ssub.s32 @!p0 $0x0, s1;
	[sflag:s0] =	ssyncset.done @!p0 $0x0  }
0x3c: {  	[sflag:s0] =	ssyncadd.s32 @!p0 s1  }
0x3d: {  	[bflag:$0x3] =	sbarrier.arrive $0xFFFF  }
0x3e: {  	_ =	shalt  }

</sc_bundles>
